<compile_context>
chip_gen: v7x
topology: tpu7x:2x2x1
jax: 0.10.2.dev20260603
libtpu: 0.0.44.dev20260713+nightly
codegen_flags: <defaults>
</compile_context>

<pallas_src>
import functools

import jax
import jax.numpy as jnp
from jax import lax
from jax.experimental import pallas as pl
from jax.experimental.pallas import tpu as pltpu
from jax.experimental.pallas import tpu_sc as plsc


_NBUF = 4


def _build(seq, feat, seqs_per_w, nw, nc):
    half = seq // 2
    nbuf = _NBUF
    mesh = plsc.VectorSubcoreMesh(core_axis_name="c", subcore_axis_name="s")

    @functools.partial(
        pl.kernel,
        mesh=mesh,
        out_type=jax.ShapeDtypeStruct((nw * seqs_per_w, seq, feat), jnp.float32),
        scratch_types=[
            pltpu.VMEM((seqs_per_w, 2, half), jnp.int32),
            pltpu.VMEM((seq, feat), jnp.float32),
            pltpu.VMEM((nbuf, seq, feat), jnp.float32),
            pltpu.SemaphoreType.DMA,
            pltpu.SemaphoreType.DMA,
        ],
        compiler_params=pltpu.CompilerParams(use_tc_tiling_on_sc=False),
    )
    def emb_kernel(idx_hbm, tok_hbm, pos_hbm, out_hbm, idx_v, pos_v, rows_v, gsem, osem):
        wid = lax.axis_index("s") * nc + lax.axis_index("c")
        pltpu.sync_copy(idx_hbm.at[wid], idx_v)
        pltpu.sync_copy(pos_hbm, pos_v)

        def start_gather(c, b):
            pltpu.async_copy(
                tok_hbm.at[idx_v.at[c, 0]], rows_v.at[b, pl.ds(0, half)], gsem
            )
            pltpu.async_copy(
                tok_hbm.at[idx_v.at[c, 1]], rows_v.at[b, pl.ds(half, half)], gsem
            )

        def wait_gather(b):
            pltpu.make_async_copy(
                tok_hbm.at[pl.ds(0, seq)], rows_v.at[b], gsem
            ).wait()

        def start_out(c, b):
            pltpu.async_copy(rows_v.at[b], out_hbm.at[wid * seqs_per_w + c], osem)

        def wait_out(b):
            pltpu.make_async_copy(
                out_hbm.at[0], rows_v.at[b], osem
            ).wait()

        start_gather(0, 0)
        start_gather(1, 1)

        def outer(g, carry):
            for b in range(nbuf):
                c = g * nbuf + b
                wait_gather(b)

                def srow(s, inner):
                    for j in range(feat // 16):
                        sl = pl.ds(j * 16, 16)
                        plsc.addupdate(rows_v.at[b, s, sl], pos_v[s, sl])
                    return inner

                lax.fori_loop(0, seq, srow, 0)
                start_out(c, b)

                bn = (b + 2) % nbuf

                @pl.when(c >= 2)
                def _():
                    wait_out(bn)

                @pl.when(c + 2 < seqs_per_w)
                def _():
                    start_gather(c + 2, bn)

            return carry

        lax.fori_loop(0, seqs_per_w // nbuf, outer, 0)
        wait_out((seqs_per_w - 2) % nbuf)
        wait_out((seqs_per_w - 1) % nbuf)

    return emb_kernel


def kernel(inputs, token_table, pos_table):
    batch, seq = inputs.shape
    feat = token_table.shape[1]
    info = plsc.get_sparse_core_info()
    nc, ns = info.num_cores, info.num_subcores
    nw = nc * ns
    total = batch * seq
    rows_per_w = total // nw
    seqs_per_w = rows_per_w // seq

    emb = _build(seq, feat, seqs_per_w, nw, nc)
    idx = inputs.astype(jnp.int32).reshape(nw, seqs_per_w, 2, seq // 2)
    out = emb(idx, token_table, pos_table)
    return out

# --- scband reference (transcript-rebuilt; emitter-appended) ---
"""Pipeline reference for scband-embed-18064632447326 (READ-ONLY COPY).

The authoritative reference and input builder live on the scoring server;
editing this copy changes nothing except your own understanding.
"""

import jax, jax.numpy as jnp
import numpy as np

NUM_EMBEDDINGS = 1000000
FEATURES = 64
MAX_LEN = 200
BATCH = 4096
SEQ_LEN = 200


def _xavier_uniform(key, shape, dtype=jnp.float32):
    fan_in, fan_out = shape[0], shape[1]
    limit = jnp.sqrt(6.0 / (fan_in + fan_out))
    return jax.random.uniform(key, shape, dtype, minval=-limit, maxval=limit)


def setup_inputs(seed: int = 0) -> dict:
    key = jax.random.key(seed)
    k_idx, k_tok, k_pos = jax.random.split(key, 3)
    inputs = jax.random.randint(k_idx, (BATCH, SEQ_LEN), 0, NUM_EMBEDDINGS, dtype=jnp.int64 if jax.config.jax_enable_x64 else jnp.int32)
    token_table = _xavier_uniform(k_tok, (NUM_EMBEDDINGS, FEATURES))
    pos_table = _xavier_uniform(k_pos, (MAX_LEN, FEATURES))
    return {"inputs": inputs, "token_table": token_table, "pos_table": pos_table}


def reference(inputs, token_table, pos_table):
    # token embedding lookup: (batch, seq_len, features)
    token_emb = jnp.take(token_table, inputs, axis=0)
    if inputs.ndim == 1:
        seq_len = inputs.shape[0]
    else:
        seq_len = inputs.shape[1]
    positions = jnp.arange(seq_len)
    pos_emb = jnp.take(pos_table, positions, axis=0)
    x = token_emb + pos_emb
    return x

if __name__ == "__main__":
    import jax
    _d = setup_inputs()
    print(jax.jit(kernel)(*tuple(_d.values())))

</pallas_src>

<mosaic_0001>
#map = affine_map<(d0, d1) -> (0, 0, 0, 0)>
#map1 = affine_map<(d0, d1) -> (0, 0)>
#map2 = affine_map<(d0, d1) -> (0, 0, 0)>
module attributes {stable_mosaic.version = 14 : i64} {
  func.func @emb_kernel(%arg0: i32, %arg1: i32, %arg2: memref<32x128x2x100xi32, #tpu.memory_space<hbm>>, %arg3: memref<1000000x64xf32, #tpu.memory_space<hbm>>, %arg4: memref<200x64xf32, #tpu.memory_space<hbm>>, %arg5: memref<4096x200x64xf32, #tpu.memory_space<hbm>>, %arg6: memref<128x2x100xi32, #tpu.memory_space<vmem>>, %arg7: memref<200x64xf32, #tpu.memory_space<vmem>>, %arg8: memref<4x200x64xf32, #tpu.memory_space<vmem>>, %arg9: memref<!tpu.dma_semaphore, #tpu.memory_space<semaphore_mem>>, %arg10: memref<!tpu.dma_semaphore, #tpu.memory_space<semaphore_mem>>) attributes {dimension_semantics = [#tpu.dimension_semantics<core_parallel>, #tpu.dimension_semantics<subcore_parallel>], iteration_bounds = array<i64: 2, 16>, scalar_prefetch = 0 : i64, scratch_operands = 5 : i64, tpu.core_type = #tpu.core_type<sc_vector_subcore>, window_params = [{transform_indices = #map}, {transform_indices = #map1}, {transform_indices = #map1}, {transform_indices = #map2}]} {
    %mul3A = arith.constant 2 : i32
    %mul3A_0 = arith.muli %arg1, %mul3A : i32
    %add3A = arith.addi %mul3A_0, %arg0 : i32
    "tpu.region"() ({
      %run_scoped3A = tpu.sem_alloc : memref<!tpu.dma_semaphore, #tpu.memory_space<semaphore_mem>>
      %dma_start3A_92 = arith.constant 0 : i32
      %dma_start3A_93 = arith.constant 0 : i32
      %dma_start3A_94 = arith.constant 0 : i32
      %dma_start3A_95 = tpu.memref_slice %arg2[%add3A, %dma_start3A_92, %dma_start3A_93, %dma_start3A_94] : memref<32x128x2x100xi32, #tpu.memory_space<hbm>> -> memref<1x128x2x100xi32, #tpu.memory_space<hbm>>
      %dma_start3A_96 = tpu.memref_squeeze %dma_start3A_95 : memref<1x128x2x100xi32, #tpu.memory_space<hbm>> -> memref<128x2x100xi32, #tpu.memory_space<hbm>>
      %dma_start3A_97 = arith.constant 0 : i32
      %dma_start3A_98 = arith.constant 0 : i32
      %dma_start3A_99 = arith.constant 0 : i32
      %dma_start3A_100 = tpu.memref_slice %arg2[%add3A, %dma_start3A_97, %dma_start3A_98, %dma_start3A_99] : memref<32x128x2x100xi32, #tpu.memory_space<hbm>> -> memref<1x128x2x100xi32, #tpu.memory_space<hbm>>
      %dma_start3A_101 = tpu.memref_squeeze %dma_start3A_100 : memref<1x128x2x100xi32, #tpu.memory_space<hbm>> -> memref<128x2x100xi32, #tpu.memory_space<hbm>>
      tpu.enqueue_dma source(%dma_start3A_101 : memref<128x2x100xi32, #tpu.memory_space<hbm>>) target(%arg6 : memref<128x2x100xi32, #tpu.memory_space<vmem>>) target_semaphore(%run_scoped3A : memref<!tpu.dma_semaphore, #tpu.memory_space<semaphore_mem>>)
      %dma_wait3A_102 = arith.constant 0 : i32
      %dma_wait3A_103 = arith.constant 0 : i32
      %dma_wait3A_104 = arith.constant 0 : i32
      %dma_wait3A_105 = tpu.memref_slice %arg2[%add3A, %dma_wait3A_102, %dma_wait3A_103, %dma_wait3A_104] : memref<32x128x2x100xi32, #tpu.memory_space<hbm>> -> memref<1x128x2x100xi32, #tpu.memory_space<hbm>>
      %dma_wait3A_106 = tpu.memref_squeeze %dma_wait3A_105 : memref<1x128x2x100xi32, #tpu.memory_space<hbm>> -> memref<128x2x100xi32, #tpu.memory_space<hbm>>
      %dma_wait3A_107 = arith.constant 0 : i32
      %dma_wait3A_108 = arith.constant 0 : i32
      %dma_wait3A_109 = arith.constant 0 : i32
      %dma_wait3A_110 = tpu.memref_slice %arg2[%add3A, %dma_wait3A_107, %dma_wait3A_108, %dma_wait3A_109] : memref<32x128x2x100xi32, #tpu.memory_space<hbm>> -> memref<1x128x2x100xi32, #tpu.memory_space<hbm>>
      %dma_wait3A_111 = tpu.memref_squeeze %dma_wait3A_110 : memref<1x128x2x100xi32, #tpu.memory_space<hbm>> -> memref<128x2x100xi32, #tpu.memory_space<hbm>>
      tpu.wait_dma2 semaphore(%run_scoped3A : memref<!tpu.dma_semaphore, #tpu.memory_space<semaphore_mem>>) src(%dma_wait3A_111 : memref<128x2x100xi32, #tpu.memory_space<hbm>>) dst(%arg6 : memref<128x2x100xi32, #tpu.memory_space<vmem>>)
      tpu.yield
    }) : () -> ()
    "tpu.region"() ({
      %run_scoped3A = tpu.sem_alloc : memref<!tpu.dma_semaphore, #tpu.memory_space<semaphore_mem>>
      tpu.enqueue_dma source(%arg4 : memref<200x64xf32, #tpu.memory_space<hbm>>) target(%arg7 : memref<200x64xf32, #tpu.memory_space<vmem>>) target_semaphore(%run_scoped3A : memref<!tpu.dma_semaphore, #tpu.memory_space<semaphore_mem>>)
      tpu.wait_dma2 semaphore(%run_scoped3A : memref<!tpu.dma_semaphore, #tpu.memory_space<semaphore_mem>>) src(%arg4 : memref<200x64xf32, #tpu.memory_space<hbm>>) dst(%arg7 : memref<200x64xf32, #tpu.memory_space<vmem>>)
      tpu.yield
    }) : () -> ()
    %dma_start3A = arith.constant 0 : i32
    %dma_start3A_1 = arith.constant 0 : i32
    %dma_start3A_2 = arith.constant 0 : i32
    %dma_start3A_3 = arith.constant 0 : i32
    %dma_start3A_4 = arith.constant 0 : i32
    %dma_start3A_5 = tpu.memref_slice %arg8[%dma_start3A_2, %dma_start3A_3, %dma_start3A_4] : memref<4x200x64xf32, #tpu.memory_space<vmem>> -> memref<1x100x64xf32, #tpu.memory_space<vmem>>
    %dma_start3A_6 = tpu.memref_squeeze %dma_start3A_5 : memref<1x100x64xf32, #tpu.memory_space<vmem>> -> memref<100x64xf32, #tpu.memory_space<vmem>>
    %dma_start3A_7 = arith.constant 0 : i32
    %dma_start3A_8 = tpu.memref_slice %arg6[%dma_start3A, %dma_start3A_1, %dma_start3A_7] : memref<128x2x100xi32, #tpu.memory_space<vmem>> -> memref<1x1x100xi32, #tpu.memory_space<vmem>>
    %dma_start3A_9 = tpu.memref_squeeze %dma_start3A_8 : memref<1x1x100xi32, #tpu.memory_space<vmem>> -> memref<100xi32, #tpu.memory_space<vmem>>
    %dma_start3A_10 = arith.constant 0 : i32
    %dma_start3A_11 = arith.constant 0 : i32
    %dma_start3A_12 = tpu.memref_slice %arg3[%dma_start3A_10, %dma_start3A_11] : memref<1000000x64xf32, #tpu.memory_space<hbm>> -> memref<1000000x64xf32, #tpu.memory_space<hbm>>
    tpu.enqueue_indirect_dma source(%dma_start3A_12 : memref<1000000x64xf32, #tpu.memory_space<hbm>>) target(%dma_start3A_6 : memref<100x64xf32, #tpu.memory_space<vmem>>) offsets(%dma_start3A_9 : memref<100xi32, #tpu.memory_space<vmem>>) semaphore(%arg9 : memref<!tpu.dma_semaphore, #tpu.memory_space<semaphore_mem>>)
    %dma_start3A_13 = arith.constant 0 : i32
    %dma_start3A_14 = arith.constant 1 : i32
    %dma_start3A_15 = arith.constant 0 : i32
    %dma_start3A_16 = arith.constant 100 : i32
    %dma_start3A_17 = arith.constant 0 : i32
    %dma_start3A_18 = tpu.memref_slice %arg8[%dma_start3A_15, %dma_start3A_16, %dma_start3A_17] : memref<4x200x64xf32, #tpu.memory_space<vmem>> -> memref<1x100x64xf32, #tpu.memory_space<vmem>>
    %dma_start3A_19 = tpu.memref_squeeze %dma_start3A_18 : memref<1x100x64xf32, #tpu.memory_space<vmem>> -> memref<100x64xf32, #tpu.memory_space<vmem>>
    %dma_start3A_20 = arith.constant 0 : i32
    %dma_start3A_21 = tpu.memref_slice %arg6[%dma_start3A_13, %dma_start3A_14, %dma_start3A_20] : memref<128x2x100xi32, #tpu.memory_space<vmem>> -> memref<1x1x100xi32, #tpu.memory_space<vmem>>
    %dma_start3A_22 = tpu.memref_squeeze %dma_start3A_21 : memref<1x1x100xi32, #tpu.memory_space<vmem>> -> memref<100xi32, #tpu.memory_space<vmem>>
    %dma_start3A_23 = arith.constant 0 : i32
    %dma_start3A_24 = arith.constant 0 : i32
    %dma_start3A_25 = tpu.memref_slice %arg3[%dma_start3A_23, %dma_start3A_24] : memref<1000000x64xf32, #tpu.memory_space<hbm>> -> memref<1000000x64xf32, #tpu.memory_space<hbm>>
    tpu.enqueue_indirect_dma source(%dma_start3A_25 : memref<1000000x64xf32, #tpu.memory_space<hbm>>) target(%dma_start3A_19 : memref<100x64xf32, #tpu.memory_space<vmem>>) offsets(%dma_start3A_22 : memref<100xi32, #tpu.memory_space<vmem>>) semaphore(%arg9 : memref<!tpu.dma_semaphore, #tpu.memory_space<semaphore_mem>>)
    %dma_start3A_26 = arith.constant 1 : i32
    %dma_start3A_27 = arith.constant 0 : i32
    %dma_start3A_28 = arith.constant 1 : i32
    %dma_start3A_29 = arith.constant 0 : i32
    %dma_start3A_30 = arith.constant 0 : i32
    %dma_start3A_31 = tpu.memref_slice %arg8[%dma_start3A_28, %dma_start3A_29, %dma_start3A_30] : memref<4x200x64xf32, #tpu.memory_space<vmem>> -> memref<1x100x64xf32, #tpu.memory_space<vmem>>
    %dma_start3A_32 = tpu.memref_squeeze %dma_start3A_31 : memref<1x100x64xf32, #tpu.memory_space<vmem>> -> memref<100x64xf32, #tpu.memory_space<vmem>>
    %dma_start3A_33 = arith.constant 0 : i32
    %dma_start3A_34 = tpu.memref_slice %arg6[%dma_start3A_26, %dma_start3A_27, %dma_start3A_33] : memref<128x2x100xi32, #tpu.memory_space<vmem>> -> memref<1x1x100xi32, #tpu.memory_space<vmem>>
    %dma_start3A_35 = tpu.memref_squeeze %dma_start3A_34 : memref<1x1x100xi32, #tpu.memory_space<vmem>> -> memref<100xi32, #tpu.memory_space<vmem>>
    %dma_start3A_36 = arith.constant 0 : i32
    %dma_start3A_37 = arith.constant 0 : i32
    %dma_start3A_38 = tpu.memref_slice %arg3[%dma_start3A_36, %dma_start3A_37] : memref<1000000x64xf32, #tpu.memory_space<hbm>> -> memref<1000000x64xf32, #tpu.memory_space<hbm>>
    tpu.enqueue_indirect_dma source(%dma_start3A_38 : memref<1000000x64xf32, #tpu.memory_space<hbm>>) target(%dma_start3A_32 : memref<100x64xf32, #tpu.memory_space<vmem>>) offsets(%dma_start3A_35 : memref<100xi32, #tpu.memory_space<vmem>>) semaphore(%arg9 : memref<!tpu.dma_semaphore, #tpu.memory_space<semaphore_mem>>)
    %dma_start3A_39 = arith.constant 1 : i32
    %dma_start3A_40 = arith.constant 1 : i32
    %dma_start3A_41 = arith.constant 1 : i32
    %dma_start3A_42 = arith.constant 100 : i32
    %dma_start3A_43 = arith.constant 0 : i32
    %dma_start3A_44 = tpu.memref_slice %arg8[%dma_start3A_41, %dma_start3A_42, %dma_start3A_43] : memref<4x200x64xf32, #tpu.memory_space<vmem>> -> memref<1x100x64xf32, #tpu.memory_space<vmem>>
    %dma_start3A_45 = tpu.memref_squeeze %dma_start3A_44 : memref<1x100x64xf32, #tpu.memory_space<vmem>> -> memref<100x64xf32, #tpu.memory_space<vmem>>
    %dma_start3A_46 = arith.constant 0 : i32
    %dma_start3A_47 = tpu.memref_slice %arg6[%dma_start3A_39, %dma_start3A_40, %dma_start3A_46] : memref<128x2x100xi32, #tpu.memory_space<vmem>> -> memref<1x1x100xi32, #tpu.memory_space<vmem>>
    %dma_start3A_48 = tpu.memref_squeeze %dma_start3A_47 : memref<1x1x100xi32, #tpu.memory_space<vmem>> -> memref<100xi32, #tpu.memory_space<vmem>>
    %dma_start3A_49 = arith.constant 0 : i32
    %dma_start3A_50 = arith.constant 0 : i32
    %dma_start3A_51 = tpu.memref_slice %arg3[%dma_start3A_49, %dma_start3A_50] : memref<1000000x64xf32, #tpu.memory_space<hbm>> -> memref<1000000x64xf32, #tpu.memory_space<hbm>>
    tpu.enqueue_indirect_dma source(%dma_start3A_51 : memref<1000000x64xf32, #tpu.memory_space<hbm>>) target(%dma_start3A_45 : memref<100x64xf32, #tpu.memory_space<vmem>>) offsets(%dma_start3A_48 : memref<100xi32, #tpu.memory_space<vmem>>) semaphore(%arg9 : memref<!tpu.dma_semaphore, #tpu.memory_space<semaphore_mem>>)
    %scan3A = arith.constant 0 : i32
    %scan3A_52 = arith.constant 0 : i32
    %scan3A_53 = arith.constant 32 : i32
    %scan3A_54 = arith.addi %scan3A_52, %scan3A_53 : i32
    %scan3A_55 = arith.constant 1 : i32
    scf.for %scan3A_92 = %scan3A_52 to %scan3A_54 step %scan3A_55  : i32 {
      %mul3A_93 = arith.constant 4 : i32
      %mul3A_94 = arith.muli %scan3A_92, %mul3A_93 : i32
      %add3A_95 = arith.constant 0 : i32
      %add3A_96 = arith.addi %mul3A_94, %add3A_95 : i32
      %dma_wait3A_97 = arith.constant 0 : i32
      %dma_wait3A_98 = arith.constant 0 : i32
      %dma_wait3A_99 = arith.constant 0 : i32
      %dma_wait3A_100 = tpu.memref_slice %arg8[%dma_wait3A_97, %dma_wait3A_98, %dma_wait3A_99] : memref<4x200x64xf32, #tpu.memory_space<vmem>> -> memref<1x200x64xf32, #tpu.memory_space<vmem>>
      %dma_wait3A_101 = tpu.memref_squeeze %dma_wait3A_100 : memref<1x200x64xf32, #tpu.memory_space<vmem>> -> memref<200x64xf32, #tpu.memory_space<vmem>>
      %dma_wait3A_102 = arith.constant 0 : i32
      %dma_wait3A_103 = arith.constant 0 : i32
      %dma_wait3A_104 = tpu.memref_slice %arg3[%dma_wait3A_102, %dma_wait3A_103] : memref<1000000x64xf32, #tpu.memory_space<hbm>> -> memref<200x64xf32, #tpu.memory_space<hbm>>
      %dma_wait3A_105 = arith.constant 0 : i32
      %dma_wait3A_106 = arith.constant 0 : i32
      %dma_wait3A_107 = tpu.memref_slice %arg8[%dma_wait3A_97, %dma_wait3A_105, %dma_wait3A_106] : memref<4x200x64xf32, #tpu.memory_space<vmem>> -> memref<1x200x64xf32, #tpu.memory_space<vmem>>
      %dma_wait3A_108 = tpu.memref_squeeze %dma_wait3A_107 : memref<1x200x64xf32, #tpu.memory_space<vmem>> -> memref<200x64xf32, #tpu.memory_space<vmem>>
      %dma_wait3A_109 = arith.constant 0 : i32
      %dma_wait3A_110 = arith.constant 0 : i32
      %dma_wait3A_111 = tpu.memref_slice %arg3[%dma_wait3A_109, %dma_wait3A_110] : memref<1000000x64xf32, #tpu.memory_space<hbm>> -> memref<200x64xf32, #tpu.memory_space<hbm>>
      tpu.wait_dma2 semaphore(%arg9 : memref<!tpu.dma_semaphore, #tpu.memory_space<semaphore_mem>>) src(%dma_wait3A_111 : memref<200x64xf32, #tpu.memory_space<hbm>>) dst(%dma_wait3A_108 : memref<200x64xf32, #tpu.memory_space<vmem>>)
      %scan3A_112 = arith.constant 0 : i32
      %scan3A_113 = arith.constant 0 : i32
      %scan3A_114 = arith.constant 200 : i32
      %scan3A_115 = arith.addi %scan3A_113, %scan3A_114 : i32
      %scan3A_116 = arith.constant 1 : i32
      scf.for %scan3A_317 = %scan3A_113 to %scan3A_115 step %scan3A_116  : i32 {
        %get3A = arith.index_cast %scan3A_317 : i32 to index
        %get3A_318 = arith.constant 0 : index
        %get3A_319 = tpu.vector_load %arg7[%get3A, %get3A_318] {strides = array<i32>} : memref<200x64xf32, #tpu.memory_space<vmem>>, vector<1x16xf32>,
        %get3A_320 = vector.shape_cast %get3A_319 : vector<1x16xf32> to vector<16xf32>
        %swap3A = arith.constant 0 : i32
        %swap3A_321 = arith.index_cast %swap3A : i32 to index
        %swap3A_322 = arith.index_cast %scan3A_317 : i32 to index
        %swap3A_323 = arith.constant 0 : index
        %swap3A_324 = tpu.vector_load %arg8[%swap3A_321, %swap3A_322, %swap3A_323] {strides = array<i32>} : memref<4x200x64xf32, #tpu.memory_space<vmem>>, vector<1x1x16xf32>,
        %swap3A_325 = vector.shape_cast %swap3A_324 : vector<1x1x16xf32> to vector<16xf32>
        %swap3A_326 = vector.shape_cast %get3A_320 : vector<16xf32> to vector<1x1x16xf32>
        tpu.vector_store %arg8[%swap3A_321, %swap3A_322, %swap3A_323], %swap3A_326 {add = true, strides = array<i32>} : memref<4x200x64xf32, #tpu.memory_space<vmem>>, vector<1x1x16xf32>,
        %get3A_327 = arith.index_cast %scan3A_317 : i32 to index
        %get3A_328 = arith.constant 16 : index
        %get3A_329 = tpu.vector_load %arg7[%get3A_327, %get3A_328] {strides = array<i32>} : memref<200x64xf32, #tpu.memory_space<vmem>>, vector<1x16xf32>,
        %get3A_330 = vector.shape_cast %get3A_329 : vector<1x16xf32> to vector<16xf32>
        %swap3A_331 = arith.constant 0 : i32
        %swap3A_332 = arith.index_cast %swap3A_331 : i32 to index
        %swap3A_333 = arith.index_cast %scan3A_317 : i32 to index
        %swap3A_334 = arith.constant 16 : index
        %swap3A_335 = tpu.vector_load %arg8[%swap3A_332, %swap3A_333, %swap3A_334] {strides = array<i32>} : memref<4x200x64xf32, #tpu.memory_space<vmem>>, vector<1x1x16xf32>,
        %swap3A_336 = vector.shape_cast %swap3A_335 : vector<1x1x16xf32> to vector<16xf32>
        %swap3A_337 = vector.shape_cast %get3A_330 : vector<16xf32> to vector<1x1x16xf32>
        tpu.vector_store %arg8[%swap3A_332, %swap3A_333, %swap3A_334], %swap3A_337 {add = true, strides = array<i32>} : memref<4x200x64xf32, #tpu.memory_space<vmem>>, vector<1x1x16xf32>,
        %get3A_338 = arith.index_cast %scan3A_317 : i32 to index
        %get3A_339 = arith.constant 32 : index
        %get3A_340 = tpu.vector_load %arg7[%get3A_338, %get3A_339] {strides = array<i32>} : memref<200x64xf32, #tpu.memory_space<vmem>>, vector<1x16xf32>,
        %get3A_341 = vector.shape_cast %get3A_340 : vector<1x16xf32> to vector<16xf32>
        %swap3A_342 = arith.constant 0 : i32
        %swap3A_343 = arith.index_cast %swap3A_342 : i32 to index
        %swap3A_344 = arith.index_cast %scan3A_317 : i32 to index
        %swap3A_345 = arith.constant 32 : index
        %swap3A_346 = tpu.vector_load %arg8[%swap3A_343, %swap3A_344, %swap3A_345] {strides = array<i32>} : memref<4x200x64xf32, #tpu.memory_space<vmem>>, vector<1x1x16xf32>,
        %swap3A_347 = vector.shape_cast %swap3A_346 : vector<1x1x16xf32> to vector<16xf32>
        %swap3A_348 = vector.shape_cast %get3A_341 : vector<16xf32> to vector<1x1x16xf32>
        tpu.vector_store %arg8[%swap3A_343, %swap3A_344, %swap3A_345], %swap3A_348 {add = true, strides = array<i32>} : memref<4x200x64xf32, #tpu.memory_space<vmem>>, vector<1x1x16xf32>,
        %get3A_349 = arith.index_cast %scan3A_317 : i32 to index
        %get3A_350 = arith.constant 48 : index
        %get3A_351 = tpu.vector_load %arg7[%get3A_349, %get3A_350] {strides = array<i32>} : memref<200x64xf32, #tpu.memory_space<vmem>>, vector<1x16xf32>,
        %get3A_352 = vector.shape_cast %get3A_351 : vector<1x16xf32> to vector<16xf32>
        %swap3A_353 = arith.constant 0 : i32
        %swap3A_354 = arith.index_cast %swap3A_353 : i32 to index
        %swap3A_355 = arith.index_cast %scan3A_317 : i32 to index
        %swap3A_356 = arith.constant 48 : index
        %swap3A_357 = tpu.vector_load %arg8[%swap3A_354, %swap3A_355, %swap3A_356] {strides = array<i32>} : memref<4x200x64xf32, #tpu.memory_space<vmem>>, vector<1x1x16xf32>,
        %swap3A_358 = vector.shape_cast %swap3A_357 : vector<1x1x16xf32> to vector<16xf32>
        %swap3A_359 = vector.shape_cast %get3A_352 : vector<16xf32> to vector<1x1x16xf32>
        tpu.vector_store %arg8[%swap3A_354, %swap3A_355, %swap3A_356], %swap3A_359 {add = true, strides = array<i32>} : memref<4x200x64xf32, #tpu.memory_space<vmem>>, vector<1x1x16xf32>,
      }
      %scan3A_117 = arith.constant 200 : i32
      %mul3A_118 = arith.constant 128 : i32
      %mul3A_119 = arith.muli %add3A, %mul3A_118 : i32
      %add3A_120 = arith.addi %mul3A_119, %add3A_96 : i32
      %dma_start3A_121 = arith.constant 0 : i32
      %dma_start3A_122 = arith.constant 0 : i32
      %dma_start3A_123 = arith.constant 0 : i32
      %dma_start3A_124 = tpu.memref_slice %arg8[%dma_start3A_121, %dma_start3A_122, %dma_start3A_123] : memref<4x200x64xf32, #tpu.memory_space<vmem>> -> memref<1x200x64xf32, #tpu.memory_space<vmem>>
      %dma_start3A_125 = tpu.memref_squeeze %dma_start3A_124 : memref<1x200x64xf32, #tpu.memory_space<vmem>> -> memref<200x64xf32, #tpu.memory_space<vmem>>
      %dma_start3A_126 = arith.constant 0 : i32
      %dma_start3A_127 = arith.constant 0 : i32
      %dma_start3A_128 = tpu.memref_slice %arg5[%add3A_120, %dma_start3A_126, %dma_start3A_127] : memref<4096x200x64xf32, #tpu.memory_space<hbm>> -> memref<1x200x64xf32, #tpu.memory_space<hbm>>
      %dma_start3A_129 = tpu.memref_squeeze %dma_start3A_128 : memref<1x200x64xf32, #tpu.memory_space<hbm>> -> memref<200x64xf32, #tpu.memory_space<hbm>>
      %dma_start3A_130 = arith.constant 0 : i32
      %dma_start3A_131 = arith.constant 0 : i32
      %dma_start3A_132 = tpu.memref_slice %arg5[%add3A_120, %dma_start3A_130, %dma_start3A_131] : memref<4096x200x64xf32, #tpu.memory_space<hbm>> -> memref<1x200x64xf32, #tpu.memory_space<hbm>>
      %dma_start3A_133 = tpu.memref_squeeze %dma_start3A_132 : memref<1x200x64xf32, #tpu.memory_space<hbm>> -> memref<200x64xf32, #tpu.memory_space<hbm>>
      %dma_start3A_134 = arith.constant 0 : i32
      %dma_start3A_135 = arith.constant 0 : i32
      %dma_start3A_136 = tpu.memref_slice %arg8[%dma_start3A_121, %dma_start3A_134, %dma_start3A_135] : memref<4x200x64xf32, #tpu.memory_space<vmem>> -> memref<1x200x64xf32, #tpu.memory_space<vmem>>
      %dma_start3A_137 = tpu.memref_squeeze %dma_start3A_136 : memref<1x200x64xf32, #tpu.memory_space<vmem>> -> memref<200x64xf32, #tpu.memory_space<vmem>>
      tpu.enqueue_dma source(%dma_start3A_137 : memref<200x64xf32, #tpu.memory_space<vmem>>) target(%dma_start3A_133 : memref<200x64xf32, #tpu.memory_space<hbm>>) target_semaphore(%arg10 : memref<!tpu.dma_semaphore, #tpu.memory_space<semaphore_mem>>)
      %ge3A = arith.constant 2 : i32
      %ge3A_138 = arith.cmpi sge, %add3A_96, %ge3A : i32
      %convert_element_type3A = arith.extui %ge3A_138 : i1 to i32
      %cond3A = arith.constant 0 : i32
      %cond3A_139 = arith.cmpi ne, %convert_element_type3A, %cond3A : i32
      scf.if %cond3A_139 {
        %dma_wait3A_317 = arith.constant 0 : i32
        %dma_wait3A_318 = arith.constant 2 : i32
        %dma_wait3A_319 = arith.constant 0 : i32
        %dma_wait3A_320 = arith.constant 0 : i32
        %dma_wait3A_321 = tpu.memref_slice %arg8[%dma_wait3A_318, %dma_wait3A_319, %dma_wait3A_320] : memref<4x200x64xf32, #tpu.memory_space<vmem>> -> memref<1x200x64xf32, #tpu.memory_space<vmem>>
        %dma_wait3A_322 = tpu.memref_squeeze %dma_wait3A_321 : memref<1x200x64xf32, #tpu.memory_space<vmem>> -> memref<200x64xf32, #tpu.memory_space<vmem>>
        %dma_wait3A_323 = arith.constant 0 : i32
        %dma_wait3A_324 = arith.constant 0 : i32
        %dma_wait3A_325 = tpu.memref_slice %arg5[%dma_wait3A_317, %dma_wait3A_323, %dma_wait3A_324] : memref<4096x200x64xf32, #tpu.memory_space<hbm>> -> memref<1x200x64xf32, #tpu.memory_space<hbm>>
        %dma_wait3A_326 = tpu.memref_squeeze %dma_wait3A_325 : memref<1x200x64xf32, #tpu.memory_space<hbm>> -> memref<200x64xf32, #tpu.memory_space<hbm>>
        %dma_wait3A_327 = arith.constant 0 : i32
        %dma_wait3A_328 = arith.constant 0 : i32
        %dma_wait3A_329 = tpu.memref_slice %arg8[%dma_wait3A_318, %dma_wait3A_327, %dma_wait3A_328] : memref<4x200x64xf32, #tpu.memory_space<vmem>> -> memref<1x200x64xf32, #tpu.memory_space<vmem>>
        %dma_wait3A_330 = tpu.memref_squeeze %dma_wait3A_329 : memref<1x200x64xf32, #tpu.memory_space<vmem>> -> memref<200x64xf32, #tpu.memory_space<vmem>>
        %dma_wait3A_331 = arith.constant 0 : i32
        %dma_wait3A_332 = arith.constant 0 : i32
        %dma_wait3A_333 = tpu.memref_slice %arg5[%dma_wait3A_317, %dma_wait3A_331, %dma_wait3A_332] : memref<4096x200x64xf32, #tpu.memory_space<hbm>> -> memref<1x200x64xf32, #tpu.memory_space<hbm>>
        %dma_wait3A_334 = tpu.memref_squeeze %dma_wait3A_333 : memref<1x200x64xf32, #tpu.memory_space<hbm>> -> memref<200x64xf32, #tpu.memory_space<hbm>>
        tpu.wait_dma2 semaphore(%arg10 : memref<!tpu.dma_semaphore, #tpu.memory_space<semaphore_mem>>) src(%dma_wait3A_334 : memref<200x64xf32, #tpu.memory_space<hbm>>) dst(%dma_wait3A_330 : memref<200x64xf32, #tpu.memory_space<vmem>>)
      } else {
      }
      %add3A_140 = arith.constant 2 : i32
      %add3A_141 = arith.addi %add3A_96, %add3A_140 : i32
      %lt3A = arith.constant 128 : i32
      %lt3A_142 = arith.cmpi slt, %add3A_141, %lt3A : i32
      %convert_element_type3A_143 = arith.extui %lt3A_142 : i1 to i32
      %cond3A_144 = arith.constant 0 : i32
      %cond3A_145 = arith.cmpi ne, %convert_element_type3A_143, %cond3A_144 : i32
      scf.if %cond3A_145 {
        %add3A_317 = arith.constant 2 : i32
        %add3A_318 = arith.addi %add3A_96, %add3A_317 : i32
        %dma_start3A_319 = arith.constant 0 : i32
        %dma_start3A_320 = arith.constant 2 : i32
        %dma_start3A_321 = arith.constant 0 : i32
        %dma_start3A_322 = arith.constant 0 : i32
        %dma_start3A_323 = tpu.memref_slice %arg8[%dma_start3A_320, %dma_start3A_321, %dma_start3A_322] : memref<4x200x64xf32, #tpu.memory_space<vmem>> -> memref<1x100x64xf32, #tpu.memory_space<vmem>>
        %dma_start3A_324 = tpu.memref_squeeze %dma_start3A_323 : memref<1x100x64xf32, #tpu.memory_space<vmem>> -> memref<100x64xf32, #tpu.memory_space<vmem>>
        %dma_start3A_325 = arith.constant 0 : i32
        %dma_start3A_326 = tpu.memref_slice %arg6[%add3A_318, %dma_start3A_319, %dma_start3A_325] : memref<128x2x100xi32, #tpu.memory_space<vmem>> -> memref<1x1x100xi32, #tpu.memory_space<vmem>>
        %dma_start3A_327 = tpu.memref_squeeze %dma_start3A_326 : memref<1x1x100xi32, #tpu.memory_space<vmem>> -> memref<100xi32, #tpu.memory_space<vmem>>
        %dma_start3A_328 = arith.constant 0 : i32
        %dma_start3A_329 = arith.constant 0 : i32
        %dma_start3A_330 = tpu.memref_slice %arg3[%dma_start3A_328, %dma_start3A_329] : memref<1000000x64xf32, #tpu.memory_space<hbm>> -> memref<1000000x64xf32, #tpu.memory_space<hbm>>
        tpu.enqueue_indirect_dma source(%dma_start3A_330 : memref<1000000x64xf32, #tpu.memory_space<hbm>>) target(%dma_start3A_324 : memref<100x64xf32, #tpu.memory_space<vmem>>) offsets(%dma_start3A_327 : memref<100xi32, #tpu.memory_space<vmem>>) semaphore(%arg9 : memref<!tpu.dma_semaphore, #tpu.memory_space<semaphore_mem>>)
        %dma_start3A_331 = arith.constant 1 : i32
        %dma_start3A_332 = arith.constant 2 : i32
        %dma_start3A_333 = arith.constant 100 : i32
        %dma_start3A_334 = arith.constant 0 : i32
        %dma_start3A_335 = tpu.memref_slice %arg8[%dma_start3A_332, %dma_start3A_333, %dma_start3A_334] : memref<4x200x64xf32, #tpu.memory_space<vmem>> -> memref<1x100x64xf32, #tpu.memory_space<vmem>>
        %dma_start3A_336 = tpu.memref_squeeze %dma_start3A_335 : memref<1x100x64xf32, #tpu.memory_space<vmem>> -> memref<100x64xf32, #tpu.memory_space<vmem>>
        %dma_start3A_337 = arith.constant 0 : i32
        %dma_start3A_338 = tpu.memref_slice %arg6[%add3A_318, %dma_start3A_331, %dma_start3A_337] : memref<128x2x100xi32, #tpu.memory_space<vmem>> -> memref<1x1x100xi32, #tpu.memory_space<vmem>>
        %dma_start3A_339 = tpu.memref_squeeze %dma_start3A_338 : memref<1x1x100xi32, #tpu.memory_space<vmem>> -> memref<100xi32, #tpu.memory_space<vmem>>
        %dma_start3A_340 = arith.constant 0 : i32
        %dma_start3A_341 = arith.constant 0 : i32
        %dma_start3A_342 = tpu.memref_slice %arg3[%dma_start3A_340, %dma_start3A_341] : memref<1000000x64xf32, #tpu.memory_space<hbm>> -> memref<1000000x64xf32, #tpu.memory_space<hbm>>
        tpu.enqueue_indirect_dma source(%dma_start3A_342 : memref<1000000x64xf32, #tpu.memory_space<hbm>>) target(%dma_start3A_336 : memref<100x64xf32, #tpu.memory_space<vmem>>) offsets(%dma_start3A_339 : memref<100xi32, #tpu.memory_space<vmem>>) semaphore(%arg9 : memref<!tpu.dma_semaphore, #tpu.memory_space<semaphore_mem>>)
      } else {
      }
      %mul3A_146 = arith.constant 4 : i32
      %mul3A_147 = arith.muli %scan3A_92, %mul3A_146 : i32
      %add3A_148 = arith.constant 1 : i32
      %add3A_149 = arith.addi %mul3A_147, %add3A_148 : i32
      %dma_wait3A_150 = arith.constant 1 : i32
      %dma_wait3A_151 = arith.constant 0 : i32
      %dma_wait3A_152 = arith.constant 0 : i32
      %dma_wait3A_153 = tpu.memref_slice %arg8[%dma_wait3A_150, %dma_wait3A_151, %dma_wait3A_152] : memref<4x200x64xf32, #tpu.memory_space<vmem>> -> memref<1x200x64xf32, #tpu.memory_space<vmem>>
      %dma_wait3A_154 = tpu.memref_squeeze %dma_wait3A_153 : memref<1x200x64xf32, #tpu.memory_space<vmem>> -> memref<200x64xf32, #tpu.memory_space<vmem>>
      %dma_wait3A_155 = arith.constant 0 : i32
      %dma_wait3A_156 = arith.constant 0 : i32
      %dma_wait3A_157 = tpu.memref_slice %arg3[%dma_wait3A_155, %dma_wait3A_156] : memref<1000000x64xf32, #tpu.memory_space<hbm>> -> memref<200x64xf32, #tpu.memory_space<hbm>>
      %dma_wait3A_158 = arith.constant 0 : i32
      %dma_wait3A_159 = arith.constant 0 : i32
      %dma_wait3A_160 = tpu.memref_slice %arg8[%dma_wait3A_150, %dma_wait3A_158, %dma_wait3A_159] : memref<4x200x64xf32, #tpu.memory_space<vmem>> -> memref<1x200x64xf32, #tpu.memory_space<vmem>>
      %dma_wait3A_161 = tpu.memref_squeeze %dma_wait3A_160 : memref<1x200x64xf32, #tpu.memory_space<vmem>> -> memref<200x64xf32, #tpu.memory_space<vmem>>
      %dma_wait3A_162 = arith.constant 0 : i32
      %dma_wait3A_163 = arith.constant 0 : i32
      %dma_wait3A_164 = tpu.memref_slice %arg3[%dma_wait3A_162, %dma_wait3A_163] : memref<1000000x64xf32, #tpu.memory_space<hbm>> -> memref<200x64xf32, #tpu.memory_space<hbm>>
      tpu.wait_dma2 semaphore(%arg9 : memref<!tpu.dma_semaphore, #tpu.memory_space<semaphore_mem>>) src(%dma_wait3A_164 : memref<200x64xf32, #tpu.memory_space<hbm>>) dst(%dma_wait3A_161 : memref<200x64xf32, #tpu.memory_space<vmem>>)
      %scan3A_165 = arith.constant 0 : i32
      %scan3A_166 = arith.constant 0 : i32
      %scan3A_167 = arith.constant 200 : i32
      %scan3A_168 = arith.addi %scan3A_166, %scan3A_167 : i32
      %scan3A_169 = arith.constant 1 : i32
      scf.for %scan3A_317 = %scan3A_166 to %scan3A_168 step %scan3A_169  : i32 {
        %get3A = arith.index_cast %scan3A_317 : i32 to index
        %get3A_318 = arith.constant 0 : index
        %get3A_319 = tpu.vector_load %arg7[%get3A, %get3A_318] {strides = array<i32>} : memref<200x64xf32, #tpu.memory_space<vmem>>, vector<1x16xf32>,
        %get3A_320 = vector.shape_cast %get3A_319 : vector<1x16xf32> to vector<16xf32>
        %swap3A = arith.constant 1 : i32
        %swap3A_321 = arith.index_cast %swap3A : i32 to index
        %swap3A_322 = arith.index_cast %scan3A_317 : i32 to index
        %swap3A_323 = arith.constant 0 : index
        %swap3A_324 = tpu.vector_load %arg8[%swap3A_321, %swap3A_322, %swap3A_323] {strides = array<i32>} : memref<4x200x64xf32, #tpu.memory_space<vmem>>, vector<1x1x16xf32>,
        %swap3A_325 = vector.shape_cast %swap3A_324 : vector<1x1x16xf32> to vector<16xf32>
        %swap3A_326 = vector.shape_cast %get3A_320 : vector<16xf32> to vector<1x1x16xf32>
        tpu.vector_store %arg8[%swap3A_321, %swap3A_322, %swap3A_323], %swap3A_326 {add = true, strides = array<i32>} : memref<4x200x64xf32, #tpu.memory_space<vmem>>, vector<1x1x16xf32>,
        %get3A_327 = arith.index_cast %scan3A_317 : i32 to index
        %get3A_328 = arith.constant 16 : index
        %get3A_329 = tpu.vector_load %arg7[%get3A_327, %get3A_328] {strides = array<i32>} : memref<200x64xf32, #tpu.memory_space<vmem>>, vector<1x16xf32>,
        %get3A_330 = vector.shape_cast %get3A_329 : vector<1x16xf32> to vector<16xf32>
        %swap3A_331 = arith.constant 1 : i32
        %swap3A_332 = arith.index_cast %swap3A_331 : i32 to index
        %swap3A_333 = arith.index_cast %scan3A_317 : i32 to index
        %swap3A_334 = arith.constant 16 : index
        %swap3A_335 = tpu.vector_load %arg8[%swap3A_332, %swap3A_333, %swap3A_334] {strides = array<i32>} : memref<4x200x64xf32, #tpu.memory_space<vmem>>, vector<1x1x16xf32>,
        %swap3A_336 = vector.shape_cast %swap3A_335 : vector<1x1x16xf32> to vector<16xf32>
        %swap3A_337 = vector.shape_cast %get3A_330 : vector<16xf32> to vector<1x1x16xf32>
        tpu.vector_store %arg8[%swap3A_332, %swap3A_333, %swap3A_334], %swap3A_337 {add = true, strides = array<i32>} : memref<4x200x64xf32, #tpu.memory_space<vmem>>, vector<1x1x16xf32>,
        %get3A_338 = arith.index_cast %scan3A_317 : i32 to index
        %get3A_339 = arith.constant 32 : index
        %get3A_340 = tpu.vector_load %arg7[%get3A_338, %get3A_339] {strides = array<i32>} : memref<200x64xf32, #tpu.memory_space<vmem>>, vector<1x16xf32>,
        %get3A_341 = vector.shape_cast %get3A_340 : vector<1x16xf32> to vector<16xf32>
        %swap3A_342 = arith.constant 1 : i32
        %swap3A_343 = arith.index_cast %swap3A_342 : i32 to index
        %swap3A_344 = arith.index_cast %scan3A_317 : i32 to index
        %swap3A_345 = arith.constant 32 : index
        %swap3A_346 = tpu.vector_load %arg8[%swap3A_343, %swap3A_344, %swap3A_345] {strides = array<i32>} : memref<4x200x64xf32, #tpu.memory_space<vmem>>, vector<1x1x16xf32>,
        %swap3A_347 = vector.shape_cast %swap3A_346 : vector<1x1x16xf32> to vector<16xf32>
        %swap3A_348 = vector.shape_cast %get3A_341 : vector<16xf32> to vector<1x1x16xf32>
        tpu.vector_store %arg8[%swap3A_343, %swap3A_344, %swap3A_345], %swap3A_348 {add = true, strides = array<i32>} : memref<4x200x64xf32, #tpu.memory_space<vmem>>, vector<1x1x16xf32>,
        %get3A_349 = arith.index_cast %scan3A_317 : i32 to index
        %get3A_350 = arith.constant 48 : index
        %get3A_351 = tpu.vector_load %arg7[%get3A_349, %get3A_350] {strides = array<i32>} : memref<200x64xf32, #tpu.memory_space<vmem>>, vector<1x16xf32>,
        %get3A_352 = vector.shape_cast %get3A_351 : vector<1x16xf32> to vector<16xf32>
        %swap3A_353 = arith.constant 1 : i32
        %swap3A_354 = arith.index_cast %swap3A_353 : i32 to index
        %swap3A_355 = arith.index_cast %scan3A_317 : i32 to index
        %swap3A_356 = arith.constant 48 : index
        %swap3A_357 = tpu.vector_load %arg8[%swap3A_354, %swap3A_355, %swap3A_356] {strides = array<i32>} : memref<4x200x64xf32, #tpu.memory_space<vmem>>, vector<1x1x16xf32>,
        %swap3A_358 = vector.shape_cast %swap3A_357 : vector<1x1x16xf32> to vector<16xf32>
        %swap3A_359 = vector.shape_cast %get3A_352 : vector<16xf32> to vector<1x1x16xf32>
        tpu.vector_store %arg8[%swap3A_354, %swap3A_355, %swap3A_356], %swap3A_359 {add = true, strides = array<i32>} : memref<4x200x64xf32, #tpu.memory_space<vmem>>, vector<1x1x16xf32>,
      }
      %scan3A_170 = arith.constant 200 : i32
      %mul3A_171 = arith.constant 128 : i32
      %mul3A_172 = arith.muli %add3A, %mul3A_171 : i32
      %add3A_173 = arith.addi %mul3A_172, %add3A_149 : i32
      %dma_start3A_174 = arith.constant 1 : i32
      %dma_start3A_175 = arith.constant 0 : i32
      %dma_start3A_176 = arith.constant 0 : i32
      %dma_start3A_177 = tpu.memref_slice %arg8[%dma_start3A_174, %dma_start3A_175, %dma_start3A_176] : memref<4x200x64xf32, #tpu.memory_space<vmem>> -> memref<1x200x64xf32, #tpu.memory_space<vmem>>
      %dma_start3A_178 = tpu.memref_squeeze %dma_start3A_177 : memref<1x200x64xf32, #tpu.memory_space<vmem>> -> memref<200x64xf32, #tpu.memory_space<vmem>>
      %dma_start3A_179 = arith.constant 0 : i32
      %dma_start3A_180 = arith.constant 0 : i32
      %dma_start3A_181 = tpu.memref_slice %arg5[%add3A_173, %dma_start3A_179, %dma_start3A_180] : memref<4096x200x64xf32, #tpu.memory_space<hbm>> -> memref<1x200x64xf32, #tpu.memory_space<hbm>>
      %dma_start3A_182 = tpu.memref_squeeze %dma_start3A_181 : memref<1x200x64xf32, #tpu.memory_space<hbm>> -> memref<200x64xf32, #tpu.memory_space<hbm>>
      %dma_start3A_183 = arith.constant 0 : i32
      %dma_start3A_184 = arith.constant 0 : i32
      %dma_start3A_185 = tpu.memref_slice %arg5[%add3A_173, %dma_start3A_183, %dma_start3A_184] : memref<4096x200x64xf32, #tpu.memory_space<hbm>> -> memref<1x200x64xf32, #tpu.memory_space<hbm>>
      %dma_start3A_186 = tpu.memref_squeeze %dma_start3A_185 : memref<1x200x64xf32, #tpu.memory_space<hbm>> -> memref<200x64xf32, #tpu.memory_space<hbm>>
      %dma_start3A_187 = arith.constant 0 : i32
      %dma_start3A_188 = arith.constant 0 : i32
      %dma_start3A_189 = tpu.memref_slice %arg8[%dma_start3A_174, %dma_start3A_187, %dma_start3A_188] : memref<4x200x64xf32, #tpu.memory_space<vmem>> -> memref<1x200x64xf32, #tpu.memory_space<vmem>>
      %dma_start3A_190 = tpu.memref_squeeze %dma_start3A_189 : memref<1x200x64xf32, #tpu.memory_space<vmem>> -> memref<200x64xf32, #tpu.memory_space<vmem>>
      tpu.enqueue_dma source(%dma_start3A_190 : memref<200x64xf32, #tpu.memory_space<vmem>>) target(%dma_start3A_186 : memref<200x64xf32, #tpu.memory_space<hbm>>) target_semaphore(%arg10 : memref<!tpu.dma_semaphore, #tpu.memory_space<semaphore_mem>>)
      %ge3A_191 = arith.constant 2 : i32
      %ge3A_192 = arith.cmpi sge, %add3A_149, %ge3A_191 : i32
      %convert_element_type3A_193 = arith.extui %ge3A_192 : i1 to i32
      %cond3A_194 = arith.constant 0 : i32
      %cond3A_195 = arith.cmpi ne, %convert_element_type3A_193, %cond3A_194 : i32
      scf.if %cond3A_195 {
        %dma_wait3A_317 = arith.constant 0 : i32
        %dma_wait3A_318 = arith.constant 3 : i32
        %dma_wait3A_319 = arith.constant 0 : i32
        %dma_wait3A_320 = arith.constant 0 : i32
        %dma_wait3A_321 = tpu.memref_slice %arg8[%dma_wait3A_318, %dma_wait3A_319, %dma_wait3A_320] : memref<4x200x64xf32, #tpu.memory_space<vmem>> -> memref<1x200x64xf32, #tpu.memory_space<vmem>>
        %dma_wait3A_322 = tpu.memref_squeeze %dma_wait3A_321 : memref<1x200x64xf32, #tpu.memory_space<vmem>> -> memref<200x64xf32, #tpu.memory_space<vmem>>
        %dma_wait3A_323 = arith.constant 0 : i32
        %dma_wait3A_324 = arith.constant 0 : i32
        %dma_wait3A_325 = tpu.memref_slice %arg5[%dma_wait3A_317, %dma_wait3A_323, %dma_wait3A_324] : memref<4096x200x64xf32, #tpu.memory_space<hbm>> -> memref<1x200x64xf32, #tpu.memory_space<hbm>>
        %dma_wait3A_326 = tpu.memref_squeeze %dma_wait3A_325 : memref<1x200x64xf32, #tpu.memory_space<hbm>> -> memref<200x64xf32, #tpu.memory_space<hbm>>
        %dma_wait3A_327 = arith.constant 0 : i32
        %dma_wait3A_328 = arith.constant 0 : i32
        %dma_wait3A_329 = tpu.memref_slice %arg8[%dma_wait3A_318, %dma_wait3A_327, %dma_wait3A_328] : memref<4x200x64xf32, #tpu.memory_space<vmem>> -> memref<1x200x64xf32, #tpu.memory_space<vmem>>
        %dma_wait3A_330 = tpu.memref_squeeze %dma_wait3A_329 : memref<1x200x64xf32, #tpu.memory_space<vmem>> -> memref<200x64xf32, #tpu.memory_space<vmem>>
        %dma_wait3A_331 = arith.constant 0 : i32
        %dma_wait3A_332 = arith.constant 0 : i32
        %dma_wait3A_333 = tpu.memref_slice %arg5[%dma_wait3A_317, %dma_wait3A_331, %dma_wait3A_332] : memref<4096x200x64xf32, #tpu.memory_space<hbm>> -> memref<1x200x64xf32, #tpu.memory_space<hbm>>
        %dma_wait3A_334 = tpu.memref_squeeze %dma_wait3A_333 : memref<1x200x64xf32, #tpu.memory_space<hbm>> -> memref<200x64xf32, #tpu.memory_space<hbm>>
        tpu.wait_dma2 semaphore(%arg10 : memref<!tpu.dma_semaphore, #tpu.memory_space<semaphore_mem>>) src(%dma_wait3A_334 : memref<200x64xf32, #tpu.memory_space<hbm>>) dst(%dma_wait3A_330 : memref<200x64xf32, #tpu.memory_space<vmem>>)
      } else {
      }
      %add3A_196 = arith.constant 2 : i32
      %add3A_197 = arith.addi %add3A_149, %add3A_196 : i32
      %lt3A_198 = arith.constant 128 : i32
      %lt3A_199 = arith.cmpi slt, %add3A_197, %lt3A_198 : i32
      %convert_element_type3A_200 = arith.extui %lt3A_199 : i1 to i32
      %cond3A_201 = arith.constant 0 : i32
      %cond3A_202 = arith.cmpi ne, %convert_element_type3A_200, %cond3A_201 : i32
      scf.if %cond3A_202 {
        %add3A_317 = arith.constant 2 : i32
        %add3A_318 = arith.addi %add3A_149, %add3A_317 : i32
        %dma_start3A_319 = arith.constant 0 : i32
        %dma_start3A_320 = arith.constant 3 : i32
        %dma_start3A_321 = arith.constant 0 : i32
        %dma_start3A_322 = arith.constant 0 : i32
        %dma_start3A_323 = tpu.memref_slice %arg8[%dma_start3A_320, %dma_start3A_321, %dma_start3A_322] : memref<4x200x64xf32, #tpu.memory_space<vmem>> -> memref<1x100x64xf32, #tpu.memory_space<vmem>>
        %dma_start3A_324 = tpu.memref_squeeze %dma_start3A_323 : memref<1x100x64xf32, #tpu.memory_space<vmem>> -> memref<100x64xf32, #tpu.memory_space<vmem>>
        %dma_start3A_325 = arith.constant 0 : i32
        %dma_start3A_326 = tpu.memref_slice %arg6[%add3A_318, %dma_start3A_319, %dma_start3A_325] : memref<128x2x100xi32, #tpu.memory_space<vmem>> -> memref<1x1x100xi32, #tpu.memory_space<vmem>>
        %dma_start3A_327 = tpu.memref_squeeze %dma_start3A_326 : memref<1x1x100xi32, #tpu.memory_space<vmem>> -> memref<100xi32, #tpu.memory_space<vmem>>
        %dma_start3A_328 = arith.constant 0 : i32
        %dma_start3A_329 = arith.constant 0 : i32
        %dma_start3A_330 = tpu.memref_slice %arg3[%dma_start3A_328, %dma_start3A_329] : memref<1000000x64xf32, #tpu.memory_space<hbm>> -> memref<1000000x64xf32, #tpu.memory_space<hbm>>
        tpu.enqueue_indirect_dma source(%dma_start3A_330 : memref<1000000x64xf32, #tpu.memory_space<hbm>>) target(%dma_start3A_324 : memref<100x64xf32, #tpu.memory_space<vmem>>) offsets(%dma_start3A_327 : memref<100xi32, #tpu.memory_space<vmem>>) semaphore(%arg9 : memref<!tpu.dma_semaphore, #tpu.memory_space<semaphore_mem>>)
        %dma_start3A_331 = arith.constant 1 : i32
        %dma_start3A_332 = arith.constant 3 : i32
        %dma_start3A_333 = arith.constant 100 : i32
        %dma_start3A_334 = arith.constant 0 : i32
        %dma_start3A_335 = tpu.memref_slice %arg8[%dma_start3A_332, %dma_start3A_333, %dma_start3A_334] : memref<4x200x64xf32, #tpu.memory_space<vmem>> -> memref<1x100x64xf32, #tpu.memory_space<vmem>>
        %dma_start3A_336 = tpu.memref_squeeze %dma_start3A_335 : memref<1x100x64xf32, #tpu.memory_space<vmem>> -> memref<100x64xf32, #tpu.memory_space<vmem>>
        %dma_start3A_337 = arith.constant 0 : i32
        %dma_start3A_338 = tpu.memref_slice %arg6[%add3A_318, %dma_start3A_331, %dma_start3A_337] : memref<128x2x100xi32, #tpu.memory_space<vmem>> -> memref<1x1x100xi32, #tpu.memory_space<vmem>>
        %dma_start3A_339 = tpu.memref_squeeze %dma_start3A_338 : memref<1x1x100xi32, #tpu.memory_space<vmem>> -> memref<100xi32, #tpu.memory_space<vmem>>
        %dma_start3A_340 = arith.constant 0 : i32
        %dma_start3A_341 = arith.constant 0 : i32
        %dma_start3A_342 = tpu.memref_slice %arg3[%dma_start3A_340, %dma_start3A_341] : memref<1000000x64xf32, #tpu.memory_space<hbm>> -> memref<1000000x64xf32, #tpu.memory_space<hbm>>
        tpu.enqueue_indirect_dma source(%dma_start3A_342 : memref<1000000x64xf32, #tpu.memory_space<hbm>>) target(%dma_start3A_336 : memref<100x64xf32, #tpu.memory_space<vmem>>) offsets(%dma_start3A_339 : memref<100xi32, #tpu.memory_space<vmem>>) semaphore(%arg9 : memref<!tpu.dma_semaphore, #tpu.memory_space<semaphore_mem>>)
      } else {
      }
      %mul3A_203 = arith.constant 4 : i32
      %mul3A_204 = arith.muli %scan3A_92, %mul3A_203 : i32
      %add3A_205 = arith.constant 2 : i32
      %add3A_206 = arith.addi %mul3A_204, %add3A_205 : i32
      %dma_wait3A_207 = arith.constant 2 : i32
      %dma_wait3A_208 = arith.constant 0 : i32
      %dma_wait3A_209 = arith.constant 0 : i32
      %dma_wait3A_210 = tpu.memref_slice %arg8[%dma_wait3A_207, %dma_wait3A_208, %dma_wait3A_209] : memref<4x200x64xf32, #tpu.memory_space<vmem>> -> memref<1x200x64xf32, #tpu.memory_space<vmem>>
      %dma_wait3A_211 = tpu.memref_squeeze %dma_wait3A_210 : memref<1x200x64xf32, #tpu.memory_space<vmem>> -> memref<200x64xf32, #tpu.memory_space<vmem>>
      %dma_wait3A_212 = arith.constant 0 : i32
      %dma_wait3A_213 = arith.constant 0 : i32
      %dma_wait3A_214 = tpu.memref_slice %arg3[%dma_wait3A_212, %dma_wait3A_213] : memref<1000000x64xf32, #tpu.memory_space<hbm>> -> memref<200x64xf32, #tpu.memory_space<hbm>>
      %dma_wait3A_215 = arith.constant 0 : i32
      %dma_wait3A_216 = arith.constant 0 : i32
      %dma_wait3A_217 = tpu.memref_slice %arg8[%dma_wait3A_207, %dma_wait3A_215, %dma_wait3A_216] : memref<4x200x64xf32, #tpu.memory_space<vmem>> -> memref<1x200x64xf32, #tpu.memory_space<vmem>>
      %dma_wait3A_218 = tpu.memref_squeeze %dma_wait3A_217 : memref<1x200x64xf32, #tpu.memory_space<vmem>> -> memref<200x64xf32, #tpu.memory_space<vmem>>
      %dma_wait3A_219 = arith.constant 0 : i32
      %dma_wait3A_220 = arith.constant 0 : i32
      %dma_wait3A_221 = tpu.memref_slice %arg3[%dma_wait3A_219, %dma_wait3A_220] : memref<1000000x64xf32, #tpu.memory_space<hbm>> -> memref<200x64xf32, #tpu.memory_space<hbm>>
      tpu.wait_dma2 semaphore(%arg9 : memref<!tpu.dma_semaphore, #tpu.memory_space<semaphore_mem>>) src(%dma_wait3A_221 : memref<200x64xf32, #tpu.memory_space<hbm>>) dst(%dma_wait3A_218 : memref<200x64xf32, #tpu.memory_space<vmem>>)
      %scan3A_222 = arith.constant 0 : i32
      %scan3A_223 = arith.constant 0 : i32
      %scan3A_224 = arith.constant 200 : i32
      %scan3A_225 = arith.addi %scan3A_223, %scan3A_224 : i32
      %scan3A_226 = arith.constant 1 : i32
      scf.for %scan3A_317 = %scan3A_223 to %scan3A_225 step %scan3A_226  : i32 {
        %get3A = arith.index_cast %scan3A_317 : i32 to index
        %get3A_318 = arith.constant 0 : index
        %get3A_319 = tpu.vector_load %arg7[%get3A, %get3A_318] {strides = array<i32>} : memref<200x64xf32, #tpu.memory_space<vmem>>, vector<1x16xf32>,
        %get3A_320 = vector.shape_cast %get3A_319 : vector<1x16xf32> to vector<16xf32>
        %swap3A = arith.constant 2 : i32
        %swap3A_321 = arith.index_cast %swap3A : i32 to index
        %swap3A_322 = arith.index_cast %scan3A_317 : i32 to index
        %swap3A_323 = arith.constant 0 : index
        %swap3A_324 = tpu.vector_load %arg8[%swap3A_321, %swap3A_322, %swap3A_323] {strides = array<i32>} : memref<4x200x64xf32, #tpu.memory_space<vmem>>, vector<1x1x16xf32>,
        %swap3A_325 = vector.shape_cast %swap3A_324 : vector<1x1x16xf32> to vector<16xf32>
        %swap3A_326 = vector.shape_cast %get3A_320 : vector<16xf32> to vector<1x1x16xf32>
        tpu.vector_store %arg8[%swap3A_321, %swap3A_322, %swap3A_323], %swap3A_326 {add = true, strides = array<i32>} : memref<4x200x64xf32, #tpu.memory_space<vmem>>, vector<1x1x16xf32>,
        %get3A_327 = arith.index_cast %scan3A_317 : i32 to index
        %get3A_328 = arith.constant 16 : index
        %get3A_329 = tpu.vector_load %arg7[%get3A_327, %get3A_328] {strides = array<i32>} : memref<200x64xf32, #tpu.memory_space<vmem>>, vector<1x16xf32>,
        %get3A_330 = vector.shape_cast %get3A_329 : vector<1x16xf32> to vector<16xf32>
        %swap3A_331 = arith.constant 2 : i32
        %swap3A_332 = arith.index_cast %swap3A_331 : i32 to index
        %swap3A_333 = arith.index_cast %scan3A_317 : i32 to index
        %swap3A_334 = arith.constant 16 : index
        %swap3A_335 = tpu.vector_load %arg8[%swap3A_332, %swap3A_333, %swap3A_334] {strides = array<i32>} : memref<4x200x64xf32, #tpu.memory_space<vmem>>, vector<1x1x16xf32>,
        %swap3A_336 = vector.shape_cast %swap3A_335 : vector<1x1x16xf32> to vector<16xf32>
        %swap3A_337 = vector.shape_cast %get3A_330 : vector<16xf32> to vector<1x1x16xf32>
        tpu.vector_store %arg8[%swap3A_332, %swap3A_333, %swap3A_334], %swap3A_337 {add = true, strides = array<i32>} : memref<4x200x64xf32, #tpu.memory_space<vmem>>, vector<1x1x16xf32>,
        %get3A_338 = arith.index_cast %scan3A_317 : i32 to index
        %get3A_339 = arith.constant 32 : index
        %get3A_340 = tpu.vector_load %arg7[%get3A_338, %get3A_339] {strides = array<i32>} : memref<200x64xf32, #tpu.memory_space<vmem>>, vector<1x16xf32>,
        %get3A_341 = vector.shape_cast %get3A_340 : vector<1x16xf32> to vector<16xf32>
        %swap3A_342 = arith.constant 2 : i32
        %swap3A_343 = arith.index_cast %swap3A_342 : i32 to index
        %swap3A_344 = arith.index_cast %scan3A_317 : i32 to index
        %swap3A_345 = arith.constant 32 : index
        %swap3A_346 = tpu.vector_load %arg8[%swap3A_343, %swap3A_344, %swap3A_345] {strides = array<i32>} : memref<4x200x64xf32, #tpu.memory_space<vmem>>, vector<1x1x16xf32>,
        %swap3A_347 = vector.shape_cast %swap3A_346 : vector<1x1x16xf32> to vector<16xf32>
        %swap3A_348 = vector.shape_cast %get3A_341 : vector<16xf32> to vector<1x1x16xf32>
        tpu.vector_store %arg8[%swap3A_343, %swap3A_344, %swap3A_345], %swap3A_348 {add = true, strides = array<i32>} : memref<4x200x64xf32, #tpu.memory_space<vmem>>, vector<1x1x16xf32>,
        %get3A_349 = arith.index_cast %scan3A_317 : i32 to index
        %get3A_350 = arith.constant 48 : index
        %get3A_351 = tpu.vector_load %arg7[%get3A_349, %get3A_350] {strides = array<i32>} : memref<200x64xf32, #tpu.memory_space<vmem>>, vector<1x16xf32>,
        %get3A_352 = vector.shape_cast %get3A_351 : vector<1x16xf32> to vector<16xf32>
        %swap3A_353 = arith.constant 2 : i32
        %swap3A_354 = arith.index_cast %swap3A_353 : i32 to index
        %swap3A_355 = arith.index_cast %scan3A_317 : i32 to index
        %swap3A_356 = arith.constant 48 : index
        %swap3A_357 = tpu.vector_load %arg8[%swap3A_354, %swap3A_355, %swap3A_356] {strides = array<i32>} : memref<4x200x64xf32, #tpu.memory_space<vmem>>, vector<1x1x16xf32>,
        %swap3A_358 = vector.shape_cast %swap3A_357 : vector<1x1x16xf32> to vector<16xf32>
        %swap3A_359 = vector.shape_cast %get3A_352 : vector<16xf32> to vector<1x1x16xf32>
        tpu.vector_store %arg8[%swap3A_354, %swap3A_355, %swap3A_356], %swap3A_359 {add = true, strides = array<i32>} : memref<4x200x64xf32, #tpu.memory_space<vmem>>, vector<1x1x16xf32>,
      }
      %scan3A_227 = arith.constant 200 : i32
      %mul3A_228 = arith.constant 128 : i32
      %mul3A_229 = arith.muli %add3A, %mul3A_228 : i32
      %add3A_230 = arith.addi %mul3A_229, %add3A_206 : i32
      %dma_start3A_231 = arith.constant 2 : i32
      %dma_start3A_232 = arith.constant 0 : i32
      %dma_start3A_233 = arith.constant 0 : i32
      %dma_start3A_234 = tpu.memref_slice %arg8[%dma_start3A_231, %dma_start3A_232, %dma_start3A_233] : memref<4x200x64xf32, #tpu.memory_space<vmem>> -> memref<1x200x64xf32, #tpu.memory_space<vmem>>
      %dma_start3A_235 = tpu.memref_squeeze %dma_start3A_234 : memref<1x200x64xf32, #tpu.memory_space<vmem>> -> memref<200x64xf32, #tpu.memory_space<vmem>>
      %dma_start3A_236 = arith.constant 0 : i32
      %dma_start3A_237 = arith.constant 0 : i32
      %dma_start3A_238 = tpu.memref_slice %arg5[%add3A_230, %dma_start3A_236, %dma_start3A_237] : memref<4096x200x64xf32, #tpu.memory_space<hbm>> -> memref<1x200x64xf32, #tpu.memory_space<hbm>>
      %dma_start3A_239 = tpu.memref_squeeze %dma_start3A_238 : memref<1x200x64xf32, #tpu.memory_space<hbm>> -> memref<200x64xf32, #tpu.memory_space<hbm>>
      %dma_start3A_240 = arith.constant 0 : i32
      %dma_start3A_241 = arith.constant 0 : i32
      %dma_start3A_242 = tpu.memref_slice %arg5[%add3A_230, %dma_start3A_240, %dma_start3A_241] : memref<4096x200x64xf32, #tpu.memory_space<hbm>> -> memref<1x200x64xf32, #tpu.memory_space<hbm>>
      %dma_start3A_243 = tpu.memref_squeeze %dma_start3A_242 : memref<1x200x64xf32, #tpu.memory_space<hbm>> -> memref<200x64xf32, #tpu.memory_space<hbm>>
      %dma_start3A_244 = arith.constant 0 : i32
      %dma_start3A_245 = arith.constant 0 : i32
      %dma_start3A_246 = tpu.memref_slice %arg8[%dma_start3A_231, %dma_start3A_244, %dma_start3A_245] : memref<4x200x64xf32, #tpu.memory_space<vmem>> -> memref<1x200x64xf32, #tpu.memory_space<vmem>>
      %dma_start3A_247 = tpu.memref_squeeze %dma_start3A_246 : memref<1x200x64xf32, #tpu.memory_space<vmem>> -> memref<200x64xf32, #tpu.memory_space<vmem>>
      tpu.enqueue_dma source(%dma_start3A_247 : memref<200x64xf32, #tpu.memory_space<vmem>>) target(%dma_start3A_243 : memref<200x64xf32, #tpu.memory_space<hbm>>) target_semaphore(%arg10 : memref<!tpu.dma_semaphore, #tpu.memory_space<semaphore_mem>>)
      %ge3A_248 = arith.constant 2 : i32
      %ge3A_249 = arith.cmpi sge, %add3A_206, %ge3A_248 : i32
      %convert_element_type3A_250 = arith.extui %ge3A_249 : i1 to i32
      %cond3A_251 = arith.constant 0 : i32
      %cond3A_252 = arith.cmpi ne, %convert_element_type3A_250, %cond3A_251 : i32
      scf.if %cond3A_252 {
        %dma_wait3A_317 = arith.constant 0 : i32
        %dma_wait3A_318 = arith.constant 0 : i32
        %dma_wait3A_319 = arith.constant 0 : i32
        %dma_wait3A_320 = arith.constant 0 : i32
        %dma_wait3A_321 = tpu.memref_slice %arg8[%dma_wait3A_318, %dma_wait3A_319, %dma_wait3A_320] : memref<4x200x64xf32, #tpu.memory_space<vmem>> -> memref<1x200x64xf32, #tpu.memory_space<vmem>>
        %dma_wait3A_322 = tpu.memref_squeeze %dma_wait3A_321 : memref<1x200x64xf32, #tpu.memory_space<vmem>> -> memref<200x64xf32, #tpu.memory_space<vmem>>
        %dma_wait3A_323 = arith.constant 0 : i32
        %dma_wait3A_324 = arith.constant 0 : i32
        %dma_wait3A_325 = tpu.memref_slice %arg5[%dma_wait3A_317, %dma_wait3A_323, %dma_wait3A_324] : memref<4096x200x64xf32, #tpu.memory_space<hbm>> -> memref<1x200x64xf32, #tpu.memory_space<hbm>>
        %dma_wait3A_326 = tpu.memref_squeeze %dma_wait3A_325 : memref<1x200x64xf32, #tpu.memory_space<hbm>> -> memref<200x64xf32, #tpu.memory_space<hbm>>
        %dma_wait3A_327 = arith.constant 0 : i32
        %dma_wait3A_328 = arith.constant 0 : i32
        %dma_wait3A_329 = tpu.memref_slice %arg8[%dma_wait3A_318, %dma_wait3A_327, %dma_wait3A_328] : memref<4x200x64xf32, #tpu.memory_space<vmem>> -> memref<1x200x64xf32, #tpu.memory_space<vmem>>
        %dma_wait3A_330 = tpu.memref_squeeze %dma_wait3A_329 : memref<1x200x64xf32, #tpu.memory_space<vmem>> -> memref<200x64xf32, #tpu.memory_space<vmem>>
        %dma_wait3A_331 = arith.constant 0 : i32
        %dma_wait3A_332 = arith.constant 0 : i32
        %dma_wait3A_333 = tpu.memref_slice %arg5[%dma_wait3A_317, %dma_wait3A_331, %dma_wait3A_332] : memref<4096x200x64xf32, #tpu.memory_space<hbm>> -> memref<1x200x64xf32, #tpu.memory_space<hbm>>
        %dma_wait3A_334 = tpu.memref_squeeze %dma_wait3A_333 : memref<1x200x64xf32, #tpu.memory_space<hbm>> -> memref<200x64xf32, #tpu.memory_space<hbm>>
        tpu.wait_dma2 semaphore(%arg10 : memref<!tpu.dma_semaphore, #tpu.memory_space<semaphore_mem>>) src(%dma_wait3A_334 : memref<200x64xf32, #tpu.memory_space<hbm>>) dst(%dma_wait3A_330 : memref<200x64xf32, #tpu.memory_space<vmem>>)
      } else {
      }
      %add3A_253 = arith.constant 2 : i32
      %add3A_254 = arith.addi %add3A_206, %add3A_253 : i32
      %lt3A_255 = arith.constant 128 : i32
      %lt3A_256 = arith.cmpi slt, %add3A_254, %lt3A_255 : i32
      %convert_element_type3A_257 = arith.extui %lt3A_256 : i1 to i32
      %cond3A_258 = arith.constant 0 : i32
      %cond3A_259 = arith.cmpi ne, %convert_element_type3A_257, %cond3A_258 : i32
      scf.if %cond3A_259 {
        %add3A_317 = arith.constant 2 : i32
        %add3A_318 = arith.addi %add3A_206, %add3A_317 : i32
        %dma_start3A_319 = arith.constant 0 : i32
        %dma_start3A_320 = arith.constant 0 : i32
        %dma_start3A_321 = arith.constant 0 : i32
        %dma_start3A_322 = arith.constant 0 : i32
        %dma_start3A_323 = tpu.memref_slice %arg8[%dma_start3A_320, %dma_start3A_321, %dma_start3A_322] : memref<4x200x64xf32, #tpu.memory_space<vmem>> -> memref<1x100x64xf32, #tpu.memory_space<vmem>>
        %dma_start3A_324 = tpu.memref_squeeze %dma_start3A_323 : memref<1x100x64xf32, #tpu.memory_space<vmem>> -> memref<100x64xf32, #tpu.memory_space<vmem>>
        %dma_start3A_325 = arith.constant 0 : i32
        %dma_start3A_326 = tpu.memref_slice %arg6[%add3A_318, %dma_start3A_319, %dma_start3A_325] : memref<128x2x100xi32, #tpu.memory_space<vmem>> -> memref<1x1x100xi32, #tpu.memory_space<vmem>>
        %dma_start3A_327 = tpu.memref_squeeze %dma_start3A_326 : memref<1x1x100xi32, #tpu.memory_space<vmem>> -> memref<100xi32, #tpu.memory_space<vmem>>
        %dma_start3A_328 = arith.constant 0 : i32
        %dma_start3A_329 = arith.constant 0 : i32
        %dma_start3A_330 = tpu.memref_slice %arg3[%dma_start3A_328, %dma_start3A_329] : memref<1000000x64xf32, #tpu.memory_space<hbm>> -> memref<1000000x64xf32, #tpu.memory_space<hbm>>
        tpu.enqueue_indirect_dma source(%dma_start3A_330 : memref<1000000x64xf32, #tpu.memory_space<hbm>>) target(%dma_start3A_324 : memref<100x64xf32, #tpu.memory_space<vmem>>) offsets(%dma_start3A_327 : memref<100xi32, #tpu.memory_space<vmem>>) semaphore(%arg9 : memref<!tpu.dma_semaphore, #tpu.memory_space<semaphore_mem>>)
        %dma_start3A_331 = arith.constant 1 : i32
        %dma_start3A_332 = arith.constant 0 : i32
        %dma_start3A_333 = arith.constant 100 : i32
        %dma_start3A_334 = arith.constant 0 : i32
        %dma_start3A_335 = tpu.memref_slice %arg8[%dma_start3A_332, %dma_start3A_333, %dma_start3A_334] : memref<4x200x64xf32, #tpu.memory_space<vmem>> -> memref<1x100x64xf32, #tpu.memory_space<vmem>>
        %dma_start3A_336 = tpu.memref_squeeze %dma_start3A_335 : memref<1x100x64xf32, #tpu.memory_space<vmem>> -> memref<100x64xf32, #tpu.memory_space<vmem>>
        %dma_start3A_337 = arith.constant 0 : i32
        %dma_start3A_338 = tpu.memref_slice %arg6[%add3A_318, %dma_start3A_331, %dma_start3A_337] : memref<128x2x100xi32, #tpu.memory_space<vmem>> -> memref<1x1x100xi32, #tpu.memory_space<vmem>>
        %dma_start3A_339 = tpu.memref_squeeze %dma_start3A_338 : memref<1x1x100xi32, #tpu.memory_space<vmem>> -> memref<100xi32, #tpu.memory_space<vmem>>
        %dma_start3A_340 = arith.constant 0 : i32
        %dma_start3A_341 = arith.constant 0 : i32
        %dma_start3A_342 = tpu.memref_slice %arg3[%dma_start3A_340, %dma_start3A_341] : memref<1000000x64xf32, #tpu.memory_space<hbm>> -> memref<1000000x64xf32, #tpu.memory_space<hbm>>
        tpu.enqueue_indirect_dma source(%dma_start3A_342 : memref<1000000x64xf32, #tpu.memory_space<hbm>>) target(%dma_start3A_336 : memref<100x64xf32, #tpu.memory_space<vmem>>) offsets(%dma_start3A_339 : memref<100xi32, #tpu.memory_space<vmem>>) semaphore(%arg9 : memref<!tpu.dma_semaphore, #tpu.memory_space<semaphore_mem>>)
      } else {
      }
      %mul3A_260 = arith.constant 4 : i32
      %mul3A_261 = arith.muli %scan3A_92, %mul3A_260 : i32
      %add3A_262 = arith.constant 3 : i32
      %add3A_263 = arith.addi %mul3A_261, %add3A_262 : i32
      %dma_wait3A_264 = arith.constant 3 : i32
      %dma_wait3A_265 = arith.constant 0 : i32
      %dma_wait3A_266 = arith.constant 0 : i32
      %dma_wait3A_267 = tpu.memref_slice %arg8[%dma_wait3A_264, %dma_wait3A_265, %dma_wait3A_266] : memref<4x200x64xf32, #tpu.memory_space<vmem>> -> memref<1x200x64xf32, #tpu.memory_space<vmem>>
      %dma_wait3A_268 = tpu.memref_squeeze %dma_wait3A_267 : memref<1x200x64xf32, #tpu.memory_space<vmem>> -> memref<200x64xf32, #tpu.memory_space<vmem>>
      %dma_wait3A_269 = arith.constant 0 : i32
      %dma_wait3A_270 = arith.constant 0 : i32
      %dma_wait3A_271 = tpu.memref_slice %arg3[%dma_wait3A_269, %dma_wait3A_270] : memref<1000000x64xf32, #tpu.memory_space<hbm>> -> memref<200x64xf32, #tpu.memory_space<hbm>>
      %dma_wait3A_272 = arith.constant 0 : i32
      %dma_wait3A_273 = arith.constant 0 : i32
      %dma_wait3A_274 = tpu.memref_slice %arg8[%dma_wait3A_264, %dma_wait3A_272, %dma_wait3A_273] : memref<4x200x64xf32, #tpu.memory_space<vmem>> -> memref<1x200x64xf32, #tpu.memory_space<vmem>>
      %dma_wait3A_275 = tpu.memref_squeeze %dma_wait3A_274 : memref<1x200x64xf32, #tpu.memory_space<vmem>> -> memref<200x64xf32, #tpu.memory_space<vmem>>
      %dma_wait3A_276 = arith.constant 0 : i32
      %dma_wait3A_277 = arith.constant 0 : i32
      %dma_wait3A_278 = tpu.memref_slice %arg3[%dma_wait3A_276, %dma_wait3A_277] : memref<1000000x64xf32, #tpu.memory_space<hbm>> -> memref<200x64xf32, #tpu.memory_space<hbm>>
      tpu.wait_dma2 semaphore(%arg9 : memref<!tpu.dma_semaphore, #tpu.memory_space<semaphore_mem>>) src(%dma_wait3A_278 : memref<200x64xf32, #tpu.memory_space<hbm>>) dst(%dma_wait3A_275 : memref<200x64xf32, #tpu.memory_space<vmem>>)
      %scan3A_279 = arith.constant 0 : i32
      %scan3A_280 = arith.constant 0 : i32
      %scan3A_281 = arith.constant 200 : i32
      %scan3A_282 = arith.addi %scan3A_280, %scan3A_281 : i32
      %scan3A_283 = arith.constant 1 : i32
      scf.for %scan3A_317 = %scan3A_280 to %scan3A_282 step %scan3A_283  : i32 {
        %get3A = arith.index_cast %scan3A_317 : i32 to index
        %get3A_318 = arith.constant 0 : index
        %get3A_319 = tpu.vector_load %arg7[%get3A, %get3A_318] {strides = array<i32>} : memref<200x64xf32, #tpu.memory_space<vmem>>, vector<1x16xf32>,
        %get3A_320 = vector.shape_cast %get3A_319 : vector<1x16xf32> to vector<16xf32>
        %swap3A = arith.constant 3 : i32
        %swap3A_321 = arith.index_cast %swap3A : i32 to index
        %swap3A_322 = arith.index_cast %scan3A_317 : i32 to index
        %swap3A_323 = arith.constant 0 : index
        %swap3A_324 = tpu.vector_load %arg8[%swap3A_321, %swap3A_322, %swap3A_323] {strides = array<i32>} : memref<4x200x64xf32, #tpu.memory_space<vmem>>, vector<1x1x16xf32>,
        %swap3A_325 = vector.shape_cast %swap3A_324 : vector<1x1x16xf32> to vector<16xf32>
        %swap3A_326 = vector.shape_cast %get3A_320 : vector<16xf32> to vector<1x1x16xf32>
        tpu.vector_store %arg8[%swap3A_321, %swap3A_322, %swap3A_323], %swap3A_326 {add = true, strides = array<i32>} : memref<4x200x64xf32, #tpu.memory_space<vmem>>, vector<1x1x16xf32>,
        %get3A_327 = arith.index_cast %scan3A_317 : i32 to index
        %get3A_328 = arith.constant 16 : index
        %get3A_329 = tpu.vector_load %arg7[%get3A_327, %get3A_328] {strides = array<i32>} : memref<200x64xf32, #tpu.memory_space<vmem>>, vector<1x16xf32>,
        %get3A_330 = vector.shape_cast %get3A_329 : vector<1x16xf32> to vector<16xf32>
        %swap3A_331 = arith.constant 3 : i32
        %swap3A_332 = arith.index_cast %swap3A_331 : i32 to index
        %swap3A_333 = arith.index_cast %scan3A_317 : i32 to index
        %swap3A_334 = arith.constant 16 : index
        %swap3A_335 = tpu.vector_load %arg8[%swap3A_332, %swap3A_333, %swap3A_334] {strides = array<i32>} : memref<4x200x64xf32, #tpu.memory_space<vmem>>, vector<1x1x16xf32>,
        %swap3A_336 = vector.shape_cast %swap3A_335 : vector<1x1x16xf32> to vector<16xf32>
        %swap3A_337 = vector.shape_cast %get3A_330 : vector<16xf32> to vector<1x1x16xf32>
        tpu.vector_store %arg8[%swap3A_332, %swap3A_333, %swap3A_334], %swap3A_337 {add = true, strides = array<i32>} : memref<4x200x64xf32, #tpu.memory_space<vmem>>, vector<1x1x16xf32>,
        %get3A_338 = arith.index_cast %scan3A_317 : i32 to index
        %get3A_339 = arith.constant 32 : index
        %get3A_340 = tpu.vector_load %arg7[%get3A_338, %get3A_339] {strides = array<i32>} : memref<200x64xf32, #tpu.memory_space<vmem>>, vector<1x16xf32>,
        %get3A_341 = vector.shape_cast %get3A_340 : vector<1x16xf32> to vector<16xf32>
        %swap3A_342 = arith.constant 3 : i32
        %swap3A_343 = arith.index_cast %swap3A_342 : i32 to index
        %swap3A_344 = arith.index_cast %scan3A_317 : i32 to index
        %swap3A_345 = arith.constant 32 : index
        %swap3A_346 = tpu.vector_load %arg8[%swap3A_343, %swap3A_344, %swap3A_345] {strides = array<i32>} : memref<4x200x64xf32, #tpu.memory_space<vmem>>, vector<1x1x16xf32>,
        %swap3A_347 = vector.shape_cast %swap3A_346 : vector<1x1x16xf32> to vector<16xf32>
        %swap3A_348 = vector.shape_cast %get3A_341 : vector<16xf32> to vector<1x1x16xf32>
        tpu.vector_store %arg8[%swap3A_343, %swap3A_344, %swap3A_345], %swap3A_348 {add = true, strides = array<i32>} : memref<4x200x64xf32, #tpu.memory_space<vmem>>, vector<1x1x16xf32>,
        %get3A_349 = arith.index_cast %scan3A_317 : i32 to index
        %get3A_350 = arith.constant 48 : index
        %get3A_351 = tpu.vector_load %arg7[%get3A_349, %get3A_350] {strides = array<i32>} : memref<200x64xf32, #tpu.memory_space<vmem>>, vector<1x16xf32>,
        %get3A_352 = vector.shape_cast %get3A_351 : vector<1x16xf32> to vector<16xf32>
        %swap3A_353 = arith.constant 3 : i32
        %swap3A_354 = arith.index_cast %swap3A_353 : i32 to index
        %swap3A_355 = arith.index_cast %scan3A_317 : i32 to index
        %swap3A_356 = arith.constant 48 : index
        %swap3A_357 = tpu.vector_load %arg8[%swap3A_354, %swap3A_355, %swap3A_356] {strides = array<i32>} : memref<4x200x64xf32, #tpu.memory_space<vmem>>, vector<1x1x16xf32>,
        %swap3A_358 = vector.shape_cast %swap3A_357 : vector<1x1x16xf32> to vector<16xf32>
        %swap3A_359 = vector.shape_cast %get3A_352 : vector<16xf32> to vector<1x1x16xf32>
        tpu.vector_store %arg8[%swap3A_354, %swap3A_355, %swap3A_356], %swap3A_359 {add = true, strides = array<i32>} : memref<4x200x64xf32, #tpu.memory_space<vmem>>, vector<1x1x16xf32>,
      }
      %scan3A_284 = arith.constant 200 : i32
      %mul3A_285 = arith.constant 128 : i32
      %mul3A_286 = arith.muli %add3A, %mul3A_285 : i32
      %add3A_287 = arith.addi %mul3A_286, %add3A_263 : i32
      %dma_start3A_288 = arith.constant 3 : i32
      %dma_start3A_289 = arith.constant 0 : i32
      %dma_start3A_290 = arith.constant 0 : i32
      %dma_start3A_291 = tpu.memref_slice %arg8[%dma_start3A_288, %dma_start3A_289, %dma_start3A_290] : memref<4x200x64xf32, #tpu.memory_space<vmem>> -> memref<1x200x64xf32, #tpu.memory_space<vmem>>
      %dma_start3A_292 = tpu.memref_squeeze %dma_start3A_291 : memref<1x200x64xf32, #tpu.memory_space<vmem>> -> memref<200x64xf32, #tpu.memory_space<vmem>>
      %dma_start3A_293 = arith.constant 0 : i32
      %dma_start3A_294 = arith.constant 0 : i32
      %dma_start3A_295 = tpu.memref_slice %arg5[%add3A_287, %dma_start3A_293, %dma_start3A_294] : memref<4096x200x64xf32, #tpu.memory_space<hbm>> -> memref<1x200x64xf32, #tpu.memory_space<hbm>>
      %dma_start3A_296 = tpu.memref_squeeze %dma_start3A_295 : memref<1x200x64xf32, #tpu.memory_space<hbm>> -> memref<200x64xf32, #tpu.memory_space<hbm>>
      %dma_start3A_297 = arith.constant 0 : i32
      %dma_start3A_298 = arith.constant 0 : i32
      %dma_start3A_299 = tpu.memref_slice %arg5[%add3A_287, %dma_start3A_297, %dma_start3A_298] : memref<4096x200x64xf32, #tpu.memory_space<hbm>> -> memref<1x200x64xf32, #tpu.memory_space<hbm>>
      %dma_start3A_300 = tpu.memref_squeeze %dma_start3A_299 : memref<1x200x64xf32, #tpu.memory_space<hbm>> -> memref<200x64xf32, #tpu.memory_space<hbm>>
      %dma_start3A_301 = arith.constant 0 : i32
      %dma_start3A_302 = arith.constant 0 : i32
      %dma_start3A_303 = tpu.memref_slice %arg8[%dma_start3A_288, %dma_start3A_301, %dma_start3A_302] : memref<4x200x64xf32, #tpu.memory_space<vmem>> -> memref<1x200x64xf32, #tpu.memory_space<vmem>>
      %dma_start3A_304 = tpu.memref_squeeze %dma_start3A_303 : memref<1x200x64xf32, #tpu.memory_space<vmem>> -> memref<200x64xf32, #tpu.memory_space<vmem>>
      tpu.enqueue_dma source(%dma_start3A_304 : memref<200x64xf32, #tpu.memory_space<vmem>>) target(%dma_start3A_300 : memref<200x64xf32, #tpu.memory_space<hbm>>) target_semaphore(%arg10 : memref<!tpu.dma_semaphore, #tpu.memory_space<semaphore_mem>>)
      %ge3A_305 = arith.constant 2 : i32
      %ge3A_306 = arith.cmpi sge, %add3A_263, %ge3A_305 : i32
      %convert_element_type3A_307 = arith.extui %ge3A_306 : i1 to i32
      %cond3A_308 = arith.constant 0 : i32
      %cond3A_309 = arith.cmpi ne, %convert_element_type3A_307, %cond3A_308 : i32
      scf.if %cond3A_309 {
        %dma_wait3A_317 = arith.constant 0 : i32
        %dma_wait3A_318 = arith.constant 1 : i32
        %dma_wait3A_319 = arith.constant 0 : i32
        %dma_wait3A_320 = arith.constant 0 : i32
        %dma_wait3A_321 = tpu.memref_slice %arg8[%dma_wait3A_318, %dma_wait3A_319, %dma_wait3A_320] : memref<4x200x64xf32, #tpu.memory_space<vmem>> -> memref<1x200x64xf32, #tpu.memory_space<vmem>>
        %dma_wait3A_322 = tpu.memref_squeeze %dma_wait3A_321 : memref<1x200x64xf32, #tpu.memory_space<vmem>> -> memref<200x64xf32, #tpu.memory_space<vmem>>
        %dma_wait3A_323 = arith.constant 0 : i32
        %dma_wait3A_324 = arith.constant 0 : i32
        %dma_wait3A_325 = tpu.memref_slice %arg5[%dma_wait3A_317, %dma_wait3A_323, %dma_wait3A_324] : memref<4096x200x64xf32, #tpu.memory_space<hbm>> -> memref<1x200x64xf32, #tpu.memory_space<hbm>>
        %dma_wait3A_326 = tpu.memref_squeeze %dma_wait3A_325 : memref<1x200x64xf32, #tpu.memory_space<hbm>> -> memref<200x64xf32, #tpu.memory_space<hbm>>
        %dma_wait3A_327 = arith.constant 0 : i32
        %dma_wait3A_328 = arith.constant 0 : i32
        %dma_wait3A_329 = tpu.memref_slice %arg8[%dma_wait3A_318, %dma_wait3A_327, %dma_wait3A_328] : memref<4x200x64xf32, #tpu.memory_space<vmem>> -> memref<1x200x64xf32, #tpu.memory_space<vmem>>
        %dma_wait3A_330 = tpu.memref_squeeze %dma_wait3A_329 : memref<1x200x64xf32, #tpu.memory_space<vmem>> -> memref<200x64xf32, #tpu.memory_space<vmem>>
        %dma_wait3A_331 = arith.constant 0 : i32
        %dma_wait3A_332 = arith.constant 0 : i32
        %dma_wait3A_333 = tpu.memref_slice %arg5[%dma_wait3A_317, %dma_wait3A_331, %dma_wait3A_332] : memref<4096x200x64xf32, #tpu.memory_space<hbm>> -> memref<1x200x64xf32, #tpu.memory_space<hbm>>
        %dma_wait3A_334 = tpu.memref_squeeze %dma_wait3A_333 : memref<1x200x64xf32, #tpu.memory_space<hbm>> -> memref<200x64xf32, #tpu.memory_space<hbm>>
        tpu.wait_dma2 semaphore(%arg10 : memref<!tpu.dma_semaphore, #tpu.memory_space<semaphore_mem>>) src(%dma_wait3A_334 : memref<200x64xf32, #tpu.memory_space<hbm>>) dst(%dma_wait3A_330 : memref<200x64xf32, #tpu.memory_space<vmem>>)
      } else {
      }
      %add3A_310 = arith.constant 2 : i32
      %add3A_311 = arith.addi %add3A_263, %add3A_310 : i32
      %lt3A_312 = arith.constant 128 : i32
      %lt3A_313 = arith.cmpi slt, %add3A_311, %lt3A_312 : i32
      %convert_element_type3A_314 = arith.extui %lt3A_313 : i1 to i32
      %cond3A_315 = arith.constant 0 : i32
      %cond3A_316 = arith.cmpi ne, %convert_element_type3A_314, %cond3A_315 : i32
      scf.if %cond3A_316 {
        %add3A_317 = arith.constant 2 : i32
        %add3A_318 = arith.addi %add3A_263, %add3A_317 : i32
        %dma_start3A_319 = arith.constant 0 : i32
        %dma_start3A_320 = arith.constant 1 : i32
        %dma_start3A_321 = arith.constant 0 : i32
        %dma_start3A_322 = arith.constant 0 : i32
        %dma_start3A_323 = tpu.memref_slice %arg8[%dma_start3A_320, %dma_start3A_321, %dma_start3A_322] : memref<4x200x64xf32, #tpu.memory_space<vmem>> -> memref<1x100x64xf32, #tpu.memory_space<vmem>>
        %dma_start3A_324 = tpu.memref_squeeze %dma_start3A_323 : memref<1x100x64xf32, #tpu.memory_space<vmem>> -> memref<100x64xf32, #tpu.memory_space<vmem>>
        %dma_start3A_325 = arith.constant 0 : i32
        %dma_start3A_326 = tpu.memref_slice %arg6[%add3A_318, %dma_start3A_319, %dma_start3A_325] : memref<128x2x100xi32, #tpu.memory_space<vmem>> -> memref<1x1x100xi32, #tpu.memory_space<vmem>>
        %dma_start3A_327 = tpu.memref_squeeze %dma_start3A_326 : memref<1x1x100xi32, #tpu.memory_space<vmem>> -> memref<100xi32, #tpu.memory_space<vmem>>
        %dma_start3A_328 = arith.constant 0 : i32
        %dma_start3A_329 = arith.constant 0 : i32
        %dma_start3A_330 = tpu.memref_slice %arg3[%dma_start3A_328, %dma_start3A_329] : memref<1000000x64xf32, #tpu.memory_space<hbm>> -> memref<1000000x64xf32, #tpu.memory_space<hbm>>
        tpu.enqueue_indirect_dma source(%dma_start3A_330 : memref<1000000x64xf32, #tpu.memory_space<hbm>>) target(%dma_start3A_324 : memref<100x64xf32, #tpu.memory_space<vmem>>) offsets(%dma_start3A_327 : memref<100xi32, #tpu.memory_space<vmem>>) semaphore(%arg9 : memref<!tpu.dma_semaphore, #tpu.memory_space<semaphore_mem>>)
        %dma_start3A_331 = arith.constant 1 : i32
        %dma_start3A_332 = arith.constant 1 : i32
        %dma_start3A_333 = arith.constant 100 : i32
        %dma_start3A_334 = arith.constant 0 : i32
        %dma_start3A_335 = tpu.memref_slice %arg8[%dma_start3A_332, %dma_start3A_333, %dma_start3A_334] : memref<4x200x64xf32, #tpu.memory_space<vmem>> -> memref<1x100x64xf32, #tpu.memory_space<vmem>>
        %dma_start3A_336 = tpu.memref_squeeze %dma_start3A_335 : memref<1x100x64xf32, #tpu.memory_space<vmem>> -> memref<100x64xf32, #tpu.memory_space<vmem>>
        %dma_start3A_337 = arith.constant 0 : i32
        %dma_start3A_338 = tpu.memref_slice %arg6[%add3A_318, %dma_start3A_331, %dma_start3A_337] : memref<128x2x100xi32, #tpu.memory_space<vmem>> -> memref<1x1x100xi32, #tpu.memory_space<vmem>>
        %dma_start3A_339 = tpu.memref_squeeze %dma_start3A_338 : memref<1x1x100xi32, #tpu.memory_space<vmem>> -> memref<100xi32, #tpu.memory_space<vmem>>
        %dma_start3A_340 = arith.constant 0 : i32
        %dma_start3A_341 = arith.constant 0 : i32
        %dma_start3A_342 = tpu.memref_slice %arg3[%dma_start3A_340, %dma_start3A_341] : memref<1000000x64xf32, #tpu.memory_space<hbm>> -> memref<1000000x64xf32, #tpu.memory_space<hbm>>
        tpu.enqueue_indirect_dma source(%dma_start3A_342 : memref<1000000x64xf32, #tpu.memory_space<hbm>>) target(%dma_start3A_336 : memref<100x64xf32, #tpu.memory_space<vmem>>) offsets(%dma_start3A_339 : memref<100xi32, #tpu.memory_space<vmem>>) semaphore(%arg9 : memref<!tpu.dma_semaphore, #tpu.memory_space<semaphore_mem>>)
      } else {
      }
    }
    %scan3A_56 = arith.constant 32 : i32
    %dma_wait3A = arith.constant 0 : i32
    %dma_wait3A_57 = arith.constant 2 : i32
    %dma_wait3A_58 = arith.constant 0 : i32
    %dma_wait3A_59 = arith.constant 0 : i32
    %dma_wait3A_60 = tpu.memref_slice %arg8[%dma_wait3A_57, %dma_wait3A_58, %dma_wait3A_59] : memref<4x200x64xf32, #tpu.memory_space<vmem>> -> memref<1x200x64xf32, #tpu.memory_space<vmem>>
    %dma_wait3A_61 = tpu.memref_squeeze %dma_wait3A_60 : memref<1x200x64xf32, #tpu.memory_space<vmem>> -> memref<200x64xf32, #tpu.memory_space<vmem>>
    %dma_wait3A_62 = arith.constant 0 : i32
    %dma_wait3A_63 = arith.constant 0 : i32
    %dma_wait3A_64 = tpu.memref_slice %arg5[%dma_wait3A, %dma_wait3A_62, %dma_wait3A_63] : memref<4096x200x64xf32, #tpu.memory_space<hbm>> -> memref<1x200x64xf32, #tpu.memory_space<hbm>>
    %dma_wait3A_65 = tpu.memref_squeeze %dma_wait3A_64 : memref<1x200x64xf32, #tpu.memory_space<hbm>> -> memref<200x64xf32, #tpu.memory_space<hbm>>
    %dma_wait3A_66 = arith.constant 0 : i32
    %dma_wait3A_67 = arith.constant 0 : i32
    %dma_wait3A_68 = tpu.memref_slice %arg8[%dma_wait3A_57, %dma_wait3A_66, %dma_wait3A_67] : memref<4x200x64xf32, #tpu.memory_space<vmem>> -> memref<1x200x64xf32, #tpu.memory_space<vmem>>
    %dma_wait3A_69 = tpu.memref_squeeze %dma_wait3A_68 : memref<1x200x64xf32, #tpu.memory_space<vmem>> -> memref<200x64xf32, #tpu.memory_space<vmem>>
    %dma_wait3A_70 = arith.constant 0 : i32
    %dma_wait3A_71 = arith.constant 0 : i32
    %dma_wait3A_72 = tpu.memref_slice %arg5[%dma_wait3A, %dma_wait3A_70, %dma_wait3A_71] : memref<4096x200x64xf32, #tpu.memory_space<hbm>> -> memref<1x200x64xf32, #tpu.memory_space<hbm>>
    %dma_wait3A_73 = tpu.memref_squeeze %dma_wait3A_72 : memref<1x200x64xf32, #tpu.memory_space<hbm>> -> memref<200x64xf32, #tpu.memory_space<hbm>>
    tpu.wait_dma2 semaphore(%arg10 : memref<!tpu.dma_semaphore, #tpu.memory_space<semaphore_mem>>) src(%dma_wait3A_73 : memref<200x64xf32, #tpu.memory_space<hbm>>) dst(%dma_wait3A_69 : memref<200x64xf32, #tpu.memory_space<vmem>>)
    %dma_wait3A_74 = arith.constant 0 : i32
    %dma_wait3A_75 = arith.constant 3 : i32
    %dma_wait3A_76 = arith.constant 0 : i32
    %dma_wait3A_77 = arith.constant 0 : i32
    %dma_wait3A_78 = tpu.memref_slice %arg8[%dma_wait3A_75, %dma_wait3A_76, %dma_wait3A_77] : memref<4x200x64xf32, #tpu.memory_space<vmem>> -> memref<1x200x64xf32, #tpu.memory_space<vmem>>
    %dma_wait3A_79 = tpu.memref_squeeze %dma_wait3A_78 : memref<1x200x64xf32, #tpu.memory_space<vmem>> -> memref<200x64xf32, #tpu.memory_space<vmem>>
    %dma_wait3A_80 = arith.constant 0 : i32
    %dma_wait3A_81 = arith.constant 0 : i32
    %dma_wait3A_82 = tpu.memref_slice %arg5[%dma_wait3A_74, %dma_wait3A_80, %dma_wait3A_81] : memref<4096x200x64xf32, #tpu.memory_space<hbm>> -> memref<1x200x64xf32, #tpu.memory_space<hbm>>
    %dma_wait3A_83 = tpu.memref_squeeze %dma_wait3A_82 : memref<1x200x64xf32, #tpu.memory_space<hbm>> -> memref<200x64xf32, #tpu.memory_space<hbm>>
    %dma_wait3A_84 = arith.constant 0 : i32
    %dma_wait3A_85 = arith.constant 0 : i32
    %dma_wait3A_86 = tpu.memref_slice %arg8[%dma_wait3A_75, %dma_wait3A_84, %dma_wait3A_85] : memref<4x200x64xf32, #tpu.memory_space<vmem>> -> memref<1x200x64xf32, #tpu.memory_space<vmem>>
    %dma_wait3A_87 = tpu.memref_squeeze %dma_wait3A_86 : memref<1x200x64xf32, #tpu.memory_space<vmem>> -> memref<200x64xf32, #tpu.memory_space<vmem>>
    %dma_wait3A_88 = arith.constant 0 : i32
    %dma_wait3A_89 = arith.constant 0 : i32
    %dma_wait3A_90 = tpu.memref_slice %arg5[%dma_wait3A_74, %dma_wait3A_88, %dma_wait3A_89] : memref<4096x200x64xf32, #tpu.memory_space<hbm>> -> memref<1x200x64xf32, #tpu.memory_space<hbm>>
    %dma_wait3A_91 = tpu.memref_squeeze %dma_wait3A_90 : memref<1x200x64xf32, #tpu.memory_space<hbm>> -> memref<200x64xf32, #tpu.memory_space<hbm>>
    tpu.wait_dma2 semaphore(%arg10 : memref<!tpu.dma_semaphore, #tpu.memory_space<semaphore_mem>>) src(%dma_wait3A_91 : memref<200x64xf32, #tpu.memory_space<hbm>>) dst(%dma_wait3A_87 : memref<200x64xf32, #tpu.memory_space<vmem>>)
    return
  }
}

</mosaic_0001>

<sc_bundles>
// kernel: kernel.3.cloned.1.call-start
scs
__scs_entry_jumppad:
0x0: {  	(pc) =	sbr.rel $0x88, $3  }
0x1: {  	(tag) =	ssettag $0x0;
	lr =	simm.s32 $0x1  }
0x2: {  	[smem:$0x3F9E] =	sst lr;
	_ =	strace $0xD0000000  }
0x3: {  	_ = 	snop  }
0x4: {  	_ = 	snop  }
0x5: {  	_ = 	snop  }
0x6: {  	_ = 	snop  }
0x7: {  	_ = 	snop  }
__scs_overlays_trampoline_lowered:
0x8: {  	[smem:$0x3FAD] =	sst s0  }
0x9: {  	[smem:$0x3FAE] =	sst s1  }
0xa: {  	[smem:$0x3FAF] =	sst s2  }
0xb: {  	[smem:$0x3FB0] =	sst s3  }
0xc: {  	[smem:$0x3FB1] =	sst s4  }
0xd: {  	[smem:$0x3FB2] =	sst s5  }
0xe: {  	[smem:$0x3FB3] =	sst s6  }
0xf: {  	[smem:$0x3FB4] =	sst s7  }
0x10: {  	[smem:$0x3FB5] =	sst s8  }
0x11: {  	[smem:$0x3FB6] =	sst s9;
	s0 =	simm.s32 @!p0 $0x0  }
0x12: {  	s1 =	sld [smem:$0x3F9C];
	s0 =	simm.s32 @p0 $0x1  }
0x13: {  	[smem:$0x3FB7] =	sst s0;
	s0 =	simm.s32 @!p1 $0x0  }
0x14: {  	s2 =	sld [smem:$0x3F9B];
	s0 =	simm.s32 @p1 $0x1  }
0x15: {  	[smem:$0x3FB8] =	sst s0;
	s0 =	simm.s32 @!p2 $0x0  }
0x16: {  	s3 =	sld [smem:$0x3FDB];
	s0 =	simm.s32 @p2 $0x1  }
0x17: {  	s4 =	simm.s32 $0x1BF5;
	[smem:$0x3FBA] =	sst s0  }
0x18: {  	s0 =	sld [smem:$0x3F9D];
	_ =	swait.ge [sflag:s4], $0x0  }
0x19: {  	s7 =	sld [smem:$0x3F9E]  }
0x1a: {  	s8 =	sadd.s32 $0xFFFFE003, lr  }
0x1b: {  	s9 =	sadd.s32 $0xFFFFFEF7, lr;
	s5 =	simm.s32 $0xFFFFFFFF;
	p2 =	slt.u32 s8, $0xFFFFF086  }
0x1c: {  	p1 =	slt.u32 s9, $0xF7A;
	s5 =	simm.s32 @!p2 $0x0  }
0x1d: {  	s5 =	simm.s32 @p1 $0x1;
	p0 =	seq.s32 s7, s2  }
0x1e: {  	s7 =	smul.u32 @!p0 $0xF7A, s2;
	p2 =	seq.s32 @!p0 s5, $0x0  }
0x1f: {  	s9 =	smul.u32 $0xF7A, s1;
	s8 =	simm.s32 @!p0 $0x1BF5;
	p2 =	por !p2, p0  }
0x20: {  	[sflag:s8] =	ssyncset.s32 @!p0 $0xFFFFF086;
	s6 =	sadd.s32 @!p0 s3, s7;
	s7 =	simm.s32 @!p0 $0x108  }
0x21: {  	s3 =	sadd.s32 s3, s9;
	s6 =	sadd.s32 @!p0 $0x88, s6;
	s7 =	simm.s32 @p2 $0x1082  }
0x22: {  	[simem:s7], [sflag:s8] =	dma.local @!p0 [hbm:s6], $0xF7A  }
0x23: {  	s9 =	sor.u32 $0xD0000000, s2;
	s6 =	simm.s32 $0x108;
	_ =	swait.ge @!p0 [sflag:s8], $0x0  }
0x24: {  	s3 =	sadd.s32 $0x88, s3;
	s6 =	simm.s32 @!p1 $0x1082;
	[sflag:s4] =	ssyncset.s32 $0xFFFFF086  }
0x25: {  	[simem:s6], [sflag:s4] =	dma.local [hbm:s3], $0xF7A  }
0x26: {  	[smem:$0x3F9E] =	sst s1;
	(tag) =	ssettag s2;
	_ =	strace s9  }
0x27: {  	s1 =	sld [smem:$0x3FAE]  }
0x28: {  	s2 =	sld [smem:$0x3FAF]  }
0x29: {  	s4 =	sld [smem:$0x3FB1]  }
0x2a: {  	p0 =	seq.s32 s5, $0x0;
	s5 =	sld [smem:$0x3FB2]  }
0x2b: {  	s6 =	sld [smem:$0x3FB3]  }
0x2c: {  	s7 =	sld [smem:$0x3FB4]  }
0x2d: {  	s3 =	simm.s32 $0x108;
	s8 =	sld [smem:$0x3FB5]  }
0x2e: {  	s3 =	simm.s32 @!p0 $0x1082;
	s9 =	sld [smem:$0x3FB6]  }
0x2f: {  	lr =	sadd.s32 s0, s3;
	s0 =	sld [smem:$0x3FAD]  }
0x30: {  	s3 =	sld [smem:$0x3FB0]  }
0x31: {  	[smem:$0x3FB9] =	sst s10  }
0x32: {  	s10 =	sld [smem:$0x3FB7];
	_ =	sdelay $0x3  }
0x33: {  	p0 =	seq.s32 s10, $0x1;
	s10 =	sld [smem:$0x3FB9];
	_ =	sdelay $0x3  }
0x34: {  	[smem:$0x3FB9] =	sst s10  }
0x35: {  	s10 =	sld [smem:$0x3FB8];
	_ =	sdelay $0x3  }
0x36: {  	p1 =	seq.s32 s10, $0x1;
	s10 =	sld [smem:$0x3FB9];
	_ =	sdelay $0x3  }
0x37: {  	[smem:$0x3FB9] =	sst s10  }
0x38: {  	s10 =	sld [smem:$0x3FBA]  }
0x39: {  	_ = 	snop;
	(pc) =	sbr.ind lr, $3  }
0x3a: {  	_ = 	snop  }
0x3b: {  	_ = 	snop  }
0x3c: {  	p2 =	seq.s32 s10, $0x1;
	s10 =	sld [smem:$0x3FB9]  }
0x3d: {  	_ =	shalt  }
0x3e: {  	_ =	shalt  }
0x3f: {  	_ =	shalt  }
0x40: {  	_ =	shalt  }
0x41: {  	_ =	shalt  }
0x42: {  	_ =	shalt  }
0x43: {  	_ =	shalt  }
0x44: {  	_ =	shalt  }
0x45: {  	_ =	shalt  }
0x46: {  	_ =	shalt  }
0x47: {  	_ =	shalt  }
0x48: {  	_ =	shalt  }
0x49: {  	_ =	shalt  }
0x4a: {  	_ =	shalt  }
0x4b: {  	_ =	shalt  }
0x4c: {  	_ =	shalt  }
0x4d: {  	_ =	shalt  }
0x4e: {  	_ =	shalt  }
0x4f: {  	_ =	shalt  }
0x50: {  	_ =	shalt  }
0x51: {  	_ =	shalt  }
0x52: {  	_ =	shalt  }
0x53: {  	_ =	shalt  }
0x54: {  	_ =	shalt  }
0x55: {  	_ =	shalt  }
0x56: {  	_ =	shalt  }
0x57: {  	_ =	shalt  }
0x58: {  	_ =	shalt  }
0x59: {  	_ =	shalt  }
0x5a: {  	_ =	shalt  }
0x5b: {  	_ =	shalt  }
0x5c: {  	_ =	shalt  }
0x5d: {  	_ =	shalt  }
0x5e: {  	_ =	shalt  }
0x5f: {  	_ =	shalt  }
0x60: {  	_ =	shalt  }
0x61: {  	_ =	shalt  }
0x62: {  	_ =	shalt  }
0x63: {  	_ =	shalt  }
0x64: {  	_ =	shalt  }
0x65: {  	_ =	shalt  }
0x66: {  	_ =	shalt  }
0x67: {  	_ =	shalt  }
0x68: {  	_ =	shalt  }
0x69: {  	_ =	shalt  }
0x6a: {  	_ =	shalt  }
0x6b: {  	_ =	shalt  }
0x6c: {  	_ =	shalt  }
0x6d: {  	_ =	shalt  }
0x6e: {  	_ =	shalt  }
0x6f: {  	_ =	shalt  }
0x70: {  	_ =	shalt  }
0x71: {  	_ =	shalt  }
0x72: {  	_ =	shalt  }
0x73: {  	_ =	shalt  }
0x74: {  	_ =	shalt  }
0x75: {  	_ =	shalt  }
0x76: {  	_ =	shalt  }
0x77: {  	_ =	shalt  }
0x78: {  	_ =	shalt  }
0x79: {  	_ =	shalt  }
0x7a: {  	_ =	shalt  }
0x7b: {  	_ =	shalt  }
0x7c: {  	_ =	shalt  }
0x7d: {  	_ =	shalt  }
0x7e: {  	_ =	shalt  }
0x7f: {  	_ =	shalt  }
0x80: {  	_ =	shalt  }
0x81: {  	_ =	shalt  }
0x82: {  	_ =	shalt  }
0x83: {  	_ =	shalt  }
0x84: {  	_ =	shalt  }
0x85: {  	_ =	shalt  }
0x86: {  	_ =	shalt  }
0x87: {  	_ =	shalt  }
.Lfunc_end0:
.L_simem_size_0:
called_computation.1_lowered:
.L_overlay_start_0:
0x88: {  	s2 =	sld [smem:$0x3FD9]  }
0x89: {  	s3 =	sld [smem:$0x3FFE];
	_ =	sdelay $0x1  }
0x8a: {  	s1 =	srdreg.scid  }
0x8b: {  	s0 =	sand.u32 $0x1, s1  }
0x8c: {  	s17 =	sshll.u32 s0, $0xA;
	s2 =	sadd.s32 s3, s2  }
0x8d: {  	s2 =	sadd.s32 s2, s17  }
0x8e: {  	[smem:$0x3FC5] =	sst s2  }
0x8f: {  	_ = 	snop  }
0x90: {  	s2 =	sld [smem:$0x3FD0];
	(tm) =	ssettm $0x1  }
0x91: {  	s18 =	sld [smem:$0x3FFB];
	_ =	sdelay $0x3  }
0x92: {  	_ =	strace s18  }
0x93: {  	s3 =	sld [smem:$0x3FFC];
	_ =	sdelay $0x3  }
0x94: {  	_ =	strace s3  }
0x95: {  	s3 =	sld [smem:$0x3FFD];
	_ =	sdelay $0x3  }
0x96: {  	_ =	strace s3  }
0x97: {  	_ =	strace $0x8FFFFFFF  }
0x98: {  	s19 =	sld [smem:$0x3FDB];
	_ =	sdelay $0x1  }
0x99: {  	s4 =	simm.s32 $_scs_section_size  }
0x9a: {  	s5 =	simm.s32 $_size__tile_overlayer_lowered;
	s6 =	simm.s32 $_tile_overlayer_lowered  }
0x9b: {  	s22 =	simm.s32 $0x1BFF;
	s21 =	sshll.u32 s6, $0x1;
	s3 =	sadd.s32 s4, s19  }
0x9c: {  	s7 =	simm.s32 $0x0;
	s20 =	sshll.u32 s5, $0x1;
	s5 =	sadd.s32 s21, s3  }
0x9d: {  	[timem:s7], [sflag:s22] =	dma.local [hbm:s5], s20  }
0x9e: {  	_ =	swait.ge [sflag:s22], s20  }
0x9f: {  	s4 =	ssub.s32 $0x0, s20;
	[sflag:s22] =	ssyncset.done $0x0  }
0xa0: {  	[sflag:s22] =	ssyncadd.s32 s4;
	_ =	sdelay $0x1  }
0xa1: {  	s23 =	simm.s32 $0x1B8B  }
0xa2: {  	_ =	swait.ge [sflag:s23], $0x1  }
0xa3: {  	[sflag:s23] =	ssyncset.done $0x0  }
0xa4: {  	s25 =	simm.s32 $0x1B8E;
	s24 =	sld [smem:$0x3FFE];
	[sflag:s23] =	ssyncadd.s32 $0xFFFFFFFF  }
0xa5: {  	s26 =	simm.s32 $execute0_lowered;
	[smem:$0x3FD2] =	sst s25  }
0xa6: {  	s5 =	sshll.u32 s26, $0x1;
	_ =	strace $0x80000046;
	[dreg:$0x1] =	wrdreg $0xFFFFFFFF  }
0xa7: {  	s28 =	simm.s32 $_size_execute0_lowered;
	s3 =	sadd.s32 s3, s5;
	[dreg:$0x0] =	wrdreg $0x0  }
0xa8: {  	s5 =	sshll.u32 s28, $0x1;
	[dreg:$0x2] =	wrdreg s3  }
0xa9: {  	[dreg:$0x3] =	wrdreg s5  }
0xaa: {  	[dreg:$0x4] =	wrdreg $0xC0  }
0xab: {  	_ =	task [dreg:s7], $0x5FFFF  }
0xac: {  	[dreg:$0x1] =	wrdreg $0xFFFFFFFF  }
0xad: {  	[dreg:$0x0] =	wrdreg $0x60  }
0xae: {  	[dreg:$0x2] =	wrdreg s24  }
0xaf: {  	[dreg:$0x3] =	wrdreg s2  }
0xb0: {  	[dreg:$0x4] =	wrdreg $0x9  }
0xb1: {  	_ =	task.clear_ibuf [dreg:s7], $0x5FFFF;
	_ =	strace $0x90000046  }
0xb2: {  	s29 =	simm.s32 $0x9;
	_ =	strace $0x80000048  }
0xb3: {  	_ =	swait.ge [sflag:s29], $0x1  }
0xb4: {  	[sflag:s29] =	ssyncadd.s32 $0xFFFFFFFF  }
0xb5: {  	_ =	strace $0x90000048  }
0xb6: {  	_ =	sfence  }
0xb7: {  	s30 =	sld [smem:$0x0];
	_ =	sdelay $0x2  }
0xb8: {  	s31 =	sshll.u32 s1, $0xD;
	s1 =	sshrl.u32 s1, $0x2  }
0xb9: {  	s3 =	sand.u32 $0x4000, s31;
	s1 =	sadd.s32 s1, s30  }
0xba: {  	s0 =	sor.u32 s3, s0;
	s1 =	sshll.u32 s1, $0x11  }
0xbb: {  	s0 =	sor.u32 s1, s0  }
0xbc: {  	s0 =	sadd.s32 $0x8F2B, s0  }
0xbd: {  	[sflag:s0] =	ssyncadd.remote.s32 $0x1  }
0xbe: {  	_ =	sfence.sel $0xFFFF  }
0xbf: {  	[dreg:$0x0] =	wrdreg $0xFFFFFFFF;
	(pc) =	sbr.abs _section_cstart, $3  }
0xc0: {  	[dreg:$0x1] =	wrdreg $0xFFFFFFFF  }
0xc1: {  	_ =	task.clear_ibuf [dreg:s7], $0x2FFFF;
	_ =	strace $0x9FFFFFFF  }
0xc2: {  	(tm) =	ssettm $0x7FFFFFFF  }
0xc3: {  	_ =	shalt  }
tec
execute0_lowered:
.L_overlay_start_1:
0x0: {  	(tag) =	ssettag $0x1  }
0x1: {  	s1 =	srdreg.scid;
	s5 =	rddreg [dreg:$0x0]  }
0x2: {  	s0 =	stileid.u32;
	s2 =	rddreg [dreg:$0x1];
	s9 =	simm.s32 $0x3  }
0x3: {  	s10 =	simm.s32 $0x6800;
	s11 =	simm.s32 $0x64;
	s12 =	simm.s32 $0x9A00  }
0x4: {  	s13 =	simm.s32 $0x68;
	s14 =	simm.s32 $0xB300;
	s15 =	simm.s32 $0xD0  }
0x5: {  	s16 =	simm.s32 $0xCC00;
	s17 =	simm.s32 $0x138;
	s18 =	simm.s32 $0xE500  }
0x6: {  	s19 =	simm.s32 $0x1;
	s20 =	simm.s32 $0xFE00;
	s21 =	simm.s32 $0x11700  }
0x7: {  	s22 =	simm.s32 $0x13000;
	s23 =	simm.s32 $0x14900;
	s24 =	simm.s32 $0x2  }
0x8: {  	s25 =	simm.s32 $0x0;
	s1 =	sand.u32 $0x1, s1;
	s3 =	sshll.u32 s0, $0x1  }
.Ltmp0:
0x9: {  	s7 =	sor.u32 s1, s3;
	s3 =	simm.s32 $0x0;
	(pc) =	sbr.rel .LBB2_1-.Ltmp0, $4  }
0xa: {  	s1 =	ssub.s32 $0x2, s1;
	s4 =	smul.u32 $0xD00, s7;
	[smem:$0x7FF] =	sst s3  }
0xb: {  	s8 =	sshrl.u32 s1, $0x1;
	s7 =	sshll.u32 s7, $0x7;
	_ =	strace $0x80000047  }
0xc: {  	s1 =	ssub.s32 s1, s8;
	s6 =	sadd.s32 s4, s5;
	s4 =	sadd.s32 $0xF43000, s5  }
0xd: {  	s5 =	sadd.s32 $0x1AC00, s5;
	s8 =	smax.u32 s1, $0x1;
	s6 =	sadd.s32 $0xC00, s6  }
.LBB2_12:
0xe: {  	s25 =	sadd.s32 $0x1, s25  }
0xf: {  	_ =	swait.ge [sflag:s24], $0x3200;
	p0 =	sne.s32 s25, s8  }
.Ltmp1:
0x10: {  	[sflag:s24] =	ssyncset.done $0x0;
	(pc) =	sbr.rel @!p0 .LBB2_13-.Ltmp1, $4  }
0x11: {  	[sflag:s24] =	ssyncadd.s32 $0xFFFFCE00  }
0x12: {  	_ =	swait.ge [sflag:s24], $0x3200  }
0x13: {  	[sflag:s24] =	ssyncset.done $0x0  }
0x14: {  	[sflag:s24] =	ssyncadd.s32 $0xFFFFCE00  }
.LBB2_1:
0x15: {  	[tilespmem:s3], [sflag:$0x3] =	stream.linear.gather [hbm4b:s6+s3], $0x6800, $0x38;
	[tilespmem:$0x16200] =	vst v63  }
0x16: {  	_ =	swait.ge [sflag:s9], $0x6800  }
0x17: {  	[sflag:s9] =	ssyncset.done $0x0  }
0x18: {  	[sflag:s9] =	ssyncadd.s32 $0xFFFF9800  }
0x19: {  	[tilespmem:s10], [sflag:$0x3] =	stream.linear.gather [hbm4b:s5+s3], $0x3200, $0x38;
	[tilespmem:$0x16200] =	vst v63  }
0x1a: {  	_ =	swait.ge [sflag:s9], $0x3200  }
0x1b: {  	[sflag:s9] =	ssyncset.done $0x0  }
0x1c: {  	[sflag:s9] =	ssyncadd.s32 $0xFFFFCE00  }
0x1d: {  	[tilespmem:s12], [sflag:$0x1] =	stream.indirect.gather [hbm4b:s4+s11], $0x40, s3, s11, $0xb8;
	[tilespmem:$0x16200] =	vst v63  }
0x1e: {  	_ = 	snop  }
0x1f: {  	[tilespmem:s14], [sflag:$0x1] =	stream.indirect.gather [hbm4b:s4+s11], $0x40, s13, s11, $0xb8;
	[tilespmem:$0x16200] =	vst v63  }
0x20: {  	_ = 	snop  }
0x21: {  	[tilespmem:s16], [sflag:$0x1] =	stream.indirect.gather [hbm4b:s4+s11], $0x40, s15, s11, $0xb8;
	[tilespmem:$0x16200] =	vst v63  }
0x22: {  	s26 =	simm.s32 $0x0  }
0x23: {  	[tilespmem:s18], [sflag:$0x1] =	stream.indirect.gather [hbm4b:s4+s11], $0x40, s17, s11, $0xb8;
	[tilespmem:$0x16200] =	vst v63  }
.LBB2_2:
0x24: {  	_ =	swait.ge [sflag:s19], $0x3200  }
0x25: {  	[sflag:s19] =	ssyncset.done $0x0  }
0x26: {  	s28 =	simm.s32 $0x0;
	[sflag:s19] =	ssyncadd.s32 $0xFFFFCE00  }
0x27: {  	v1 =	vld [tilespmem:s28+$0x6830]  }
0x28: {  	v2 =	vld [tilespmem:s28+$0x6800]  }
0x29: {  	v3 =	vld [tilespmem:s28+$0x6810]  }
0x2a: {  	v0 =	vld [tilespmem:s28+$0x6820];
	_ =	sdelay $0x1  }
0x2b: {  	[tilespmem:s28+$0x9A30] =	vst.add.f32.msk $0xffff, v1  }
0x2c: {  	[tilespmem:s28+$0x9A00] =	vst.add.f32.msk $0xffff, v2  }
0x2d: {  	s29 =	simm.s32 $0x40;
	s30 =	simm.s32 $0x200;
	[tilespmem:s28+$0x9A10] =	vst.add.f32.msk $0xffff, v3  }
.LBB2_3:
0x2e: {  	p0 =	sne.s32 s30, $0xC700;
	v1 =	vld [tilespmem:s29+$0x6830];
	v2 =	vmov v0  }
0x2f: {  	v3 =	vld [tilespmem:s29+$0x6800]  }
0x30: {  	v4 =	vld [tilespmem:s29+$0x6810]  }
.Ltmp2:
0x31: {  	v0 =	vld [tilespmem:s29+$0x6820];
	(pc) =	sbr.rel @p0 .LBB2_3-.Ltmp2, $4  }
0x32: {  	[tilespmem:s28+$0x9A20] =	vst.add.f32.msk $0xffff, v2;
	s28 =	smov.u32 s29  }
0x33: {  	[tilespmem:s28+$0x9A30] =	vst.add.f32.msk $0xffff, v1  }
0x34: {  	[tilespmem:s28+$0x9A00] =	vst.add.f32.msk $0xffff, v3  }
0x35: {  	s29 =	sshra.s32 s30, $0x2;
	s30 =	sadd.s32 $0x100, s30;
	[tilespmem:s28+$0x9A10] =	vst.add.f32.msk $0xffff, v4  }
0x36: {  	v1 =	vld [tilespmem:s29+$0x6830]  }
0x37: {  	v2 =	vld [tilespmem:s29+$0x6800]  }
0x38: {  	v3 =	vld [tilespmem:s29+$0x6810]  }
0x39: {  	v4 =	vld [tilespmem:s29+$0x6820]  }
0x3a: {  	[tilespmem:s28+$0x9A20] =	vst.add.f32.msk $0xffff, v0;
	s28 =	sshll.u32 s26, $0x2  }
0x3b: {  	s1 =	sadd.s32 s7, s28;
	[tilespmem:s29+$0x9A30] =	vst.add.f32.msk $0xffff, v1  }
0x3c: {  	s1 =	smul.u32 $0x640, s1;
	[tilespmem:s29+$0x9A00] =	vst.add.f32.msk $0xffff, v2  }
0x3d: {  	[tilespmem:s29+$0x9A10] =	vst.add.f32.msk $0xffff, v3  }
0x3e: {  	p0 =	seq.s32 s26, $0x0;
	s1 =	sadd.s32 s2, s1;
	[tilespmem:s29+$0x9A20] =	vst.add.f32.msk $0xffff, v4  }
0x3f: {  	[hbm4b:s1+s3] =	stream.linear.scatter [tilespmem:s12], [sflag:$0x2], $0x3200, $0x38;
	[tilespmem:$0x16200] =	vst v63  }
0x40: {  	s29 =	sor.u32 $0x2, s28;
	s1 =	simm.s32 @!p0 $0x2  }
0x41: {  	s30 =	smul.u32 $0x340, s29;
	_ =	swait.ge @!p0 [sflag:s1], $0x3200  }
0x42: {  	[sflag:s1] =	ssyncset.done @!p0 $0x0  }
0x43: {  	[sflag:s1] =	ssyncadd.s32 @!p0 $0xFFFFCE00;
	s1 =	sshra.s32 s30, $0x2  }
0x44: {  	[tilespmem:s20], [sflag:$0x1] =	stream.indirect.gather [hbm4b:s4+s11], $0x40, s1, s11, $0xb8;
	[tilespmem:$0x16200] =	vst v63  }
0x45: {  	s1 =	sadd.s32 $0x68, s1  }
0x46: {  	[tilespmem:s21], [sflag:$0x1] =	stream.indirect.gather [hbm4b:s4+s11], $0x40, s1, s11, $0xb8;
	[tilespmem:$0x16200] =	vst v63  }
0x47: {  	_ =	swait.ge [sflag:s19], $0x3200  }
0x48: {  	[sflag:s19] =	ssyncset.done $0x0  }
0x49: {  	s30 =	simm.s32 $0x0;
	[sflag:s19] =	ssyncadd.s32 $0xFFFFCE00  }
0x4a: {  	v1 =	vld [tilespmem:s30+$0x6830]  }
0x4b: {  	v2 =	vld [tilespmem:s30+$0x6800]  }
0x4c: {  	v3 =	vld [tilespmem:s30+$0x6810]  }
0x4d: {  	v0 =	vld [tilespmem:s30+$0x6820];
	_ =	sdelay $0x1  }
0x4e: {  	[tilespmem:s30+$0xCC30] =	vst.add.f32.msk $0xffff, v1  }
0x4f: {  	[tilespmem:s30+$0xCC00] =	vst.add.f32.msk $0xffff, v2  }
0x50: {  	s31 =	simm.s32 $0x40;
	s1 =	simm.s32 $0x200;
	[tilespmem:s30+$0xCC10] =	vst.add.f32.msk $0xffff, v3  }
.LBB2_5:
0x51: {  	p1 =	sne.s32 s1, $0xC700;
	v1 =	vld [tilespmem:s31+$0x6830];
	v2 =	vmov v0  }
0x52: {  	v3 =	vld [tilespmem:s31+$0x6800]  }
0x53: {  	v4 =	vld [tilespmem:s31+$0x6810]  }
.Ltmp3:
0x54: {  	v0 =	vld [tilespmem:s31+$0x6820];
	(pc) =	sbr.rel @p1 .LBB2_5-.Ltmp3, $4  }
0x55: {  	[tilespmem:s30+$0xCC20] =	vst.add.f32.msk $0xffff, v2;
	s30 =	smov.u32 s31  }
0x56: {  	[tilespmem:s30+$0xCC30] =	vst.add.f32.msk $0xffff, v1  }
0x57: {  	[tilespmem:s30+$0xCC00] =	vst.add.f32.msk $0xffff, v3  }
0x58: {  	s31 =	sshra.s32 s1, $0x2;
	s1 =	sadd.s32 $0x100, s1;
	[tilespmem:s30+$0xCC10] =	vst.add.f32.msk $0xffff, v4  }
0x59: {  	v1 =	vld [tilespmem:s31+$0x6830]  }
0x5a: {  	v2 =	vld [tilespmem:s31+$0x6800]  }
0x5b: {  	v3 =	vld [tilespmem:s31+$0x6810]  }
0x5c: {  	v4 =	vld [tilespmem:s31+$0x6820]  }
0x5d: {  	[tilespmem:s30+$0xCC20] =	vst.add.f32.msk $0xffff, v0;
	s1 =	sadd.s32 s28, s7  }
0x5e: {  	s1 =	smul.u32 $0x640, s1;
	[tilespmem:s31+$0xCC30] =	vst.add.f32.msk $0xffff, v1  }
0x5f: {  	[tilespmem:s31+$0xCC00] =	vst.add.f32.msk $0xffff, v2  }
0x60: {  	s1 =	sadd.s32 s2, s1;
	[tilespmem:s31+$0xCC10] =	vst.add.f32.msk $0xffff, v3  }
0x61: {  	s1 =	sadd.s32 $0x640, s1;
	[tilespmem:s31+$0xCC20] =	vst.add.f32.msk $0xffff, v4  }
0x62: {  	[hbm4b:s1+s3] =	stream.linear.scatter [tilespmem:s16], [sflag:$0x2], $0x3200, $0x38;
	[tilespmem:$0x16200] =	vst v63  }
0x63: {  	s28 =	sor.u32 $0x3, s28;
	s1 =	simm.s32 @!p0 $0x2  }
0x64: {  	s30 =	smul.u32 $0x340, s28;
	_ =	swait.ge @!p0 [sflag:s1], $0x3200  }
0x65: {  	[sflag:s1] =	ssyncset.done @!p0 $0x0  }
0x66: {  	[sflag:s1] =	ssyncadd.s32 @!p0 $0xFFFFCE00;
	s1 =	sshra.s32 s30, $0x2  }
0x67: {  	[tilespmem:s22], [sflag:$0x1] =	stream.indirect.gather [hbm4b:s4+s11], $0x40, s1, s11, $0xb8;
	[tilespmem:$0x16200] =	vst v63  }
0x68: {  	s1 =	sadd.s32 $0x68, s1  }
0x69: {  	[tilespmem:s23], [sflag:$0x1] =	stream.indirect.gather [hbm4b:s4+s11], $0x40, s1, s11, $0xb8;
	[tilespmem:$0x16200] =	vst v63  }
0x6a: {  	_ =	swait.ge [sflag:s19], $0x3200  }
0x6b: {  	[sflag:s19] =	ssyncset.done $0x0  }
0x6c: {  	s30 =	simm.s32 $0x0;
	[sflag:s19] =	ssyncadd.s32 $0xFFFFCE00  }
0x6d: {  	v1 =	vld [tilespmem:s30+$0x6830]  }
0x6e: {  	v2 =	vld [tilespmem:s30+$0x6800]  }
0x6f: {  	v3 =	vld [tilespmem:s30+$0x6810]  }
0x70: {  	v0 =	vld [tilespmem:s30+$0x6820];
	_ =	sdelay $0x1  }
0x71: {  	[tilespmem:s30+$0xFE30] =	vst.add.f32.msk $0xffff, v1  }
0x72: {  	[tilespmem:s30+$0xFE00] =	vst.add.f32.msk $0xffff, v2  }
0x73: {  	s31 =	simm.s32 $0x40;
	s1 =	simm.s32 $0x200;
	[tilespmem:s30+$0xFE10] =	vst.add.f32.msk $0xffff, v3  }
.LBB2_7:
0x74: {  	p0 =	sne.s32 s1, $0xC700;
	v1 =	vld [tilespmem:s31+$0x6830];
	v2 =	vmov v0  }
0x75: {  	v3 =	vld [tilespmem:s31+$0x6800]  }
0x76: {  	v4 =	vld [tilespmem:s31+$0x6810]  }
.Ltmp4:
0x77: {  	v0 =	vld [tilespmem:s31+$0x6820];
	(pc) =	sbr.rel @p0 .LBB2_7-.Ltmp4, $4  }
0x78: {  	[tilespmem:s30+$0xFE20] =	vst.add.f32.msk $0xffff, v2;
	s30 =	smov.u32 s31  }
0x79: {  	[tilespmem:s30+$0xFE30] =	vst.add.f32.msk $0xffff, v1  }
0x7a: {  	[tilespmem:s30+$0xFE00] =	vst.add.f32.msk $0xffff, v3  }
0x7b: {  	s31 =	sshra.s32 s1, $0x2;
	s1 =	sadd.s32 $0x100, s1;
	[tilespmem:s30+$0xFE10] =	vst.add.f32.msk $0xffff, v4  }
0x7c: {  	v1 =	vld [tilespmem:s31+$0x6830]  }
0x7d: {  	v2 =	vld [tilespmem:s31+$0x6800]  }
0x7e: {  	v3 =	vld [tilespmem:s31+$0x6810]  }
0x7f: {  	v4 =	vld [tilespmem:s31+$0x6820]  }
0x80: {  	[tilespmem:s30+$0xFE20] =	vst.add.f32.msk $0xffff, v0  }
0x81: {  	s1 =	sadd.s32 s7, s29;
	[tilespmem:s31+$0xFE30] =	vst.add.f32.msk $0xffff, v1  }
0x82: {  	s1 =	smul.u32 $0x640, s1;
	[tilespmem:s31+$0xFE00] =	vst.add.f32.msk $0xffff, v2  }
0x83: {  	[tilespmem:s31+$0xFE10] =	vst.add.f32.msk $0xffff, v3  }
0x84: {  	p0 =	seq.s32 s26, $0x1F;
	s1 =	sadd.s32 s2, s1;
	[tilespmem:s31+$0xFE20] =	vst.add.f32.msk $0xffff, v4  }
0x85: {  	[hbm4b:s1+s3] =	stream.linear.scatter [tilespmem:s20], [sflag:$0x2], $0x3200, $0x38;
	[tilespmem:$0x16200] =	vst v63  }
0x86: {  	s1 =	smul.u32 @!p0 $0xD00, s26  }
0x87: {  	_ =	swait.ge [sflag:s24], $0x3200  }
0x88: {  	s30 =	simm.s32 @!p0 $0x64;
	[sflag:s24] =	ssyncset.done $0x0;
	s1 =	sshra.s32 @!p0 s1, $0x2  }
0x89: {  	s31 =	simm.s32 @!p0 $0x9A00;
	[sflag:s24] =	ssyncadd.s32 $0xFFFFCE00;
	s29 =	sadd.s32 @!p0 $0x340, s1  }
0x8a: {  	[tilespmem:s31], [sflag:$0x1] =	stream.indirect.gather @!p0 [hbm4b:s4+s30], $0x40, s29, s30, $0xb8;
	[tilespmem:$0x16200] =	vst v63  }
0x8b: {  	s1 =	sadd.s32 @!p0 $0x3A8, s1;
	s29 =	simm.s32 @!p0 $0xB300  }
0x8c: {  	[tilespmem:s29], [sflag:$0x1] =	stream.indirect.gather @!p0 [hbm4b:s4+s30], $0x40, s1, s30, $0xb8;
	[tilespmem:$0x16200] =	vst v63  }
0x8d: {  	_ =	swait.ge [sflag:s19], $0x3200  }
0x8e: {  	[sflag:s19] =	ssyncset.done $0x0  }
0x8f: {  	s29 =	simm.s32 $0x0;
	[sflag:s19] =	ssyncadd.s32 $0xFFFFCE00  }
0x90: {  	v1 =	vld [tilespmem:s29+$0x6830]  }
0x91: {  	v2 =	vld [tilespmem:s29+$0x6800]  }
0x92: {  	v3 =	vld [tilespmem:s29+$0x6810]  }
0x93: {  	v0 =	vld [tilespmem:s29+$0x6820];
	_ =	sdelay $0x1  }
0x94: {  	[tilespmem:s29+$0x13030] =	vst.add.f32.msk $0xffff, v1  }
0x95: {  	[tilespmem:s29+$0x13000] =	vst.add.f32.msk $0xffff, v2  }
0x96: {  	s30 =	simm.s32 $0x40;
	s1 =	simm.s32 $0x200;
	[tilespmem:s29+$0x13010] =	vst.add.f32.msk $0xffff, v3  }
.LBB2_9:
0x97: {  	p1 =	sne.s32 s1, $0xC700;
	v1 =	vld [tilespmem:s30+$0x6830];
	v2 =	vmov v0  }
0x98: {  	v3 =	vld [tilespmem:s30+$0x6800]  }
0x99: {  	v4 =	vld [tilespmem:s30+$0x6810]  }
.Ltmp5:
0x9a: {  	v0 =	vld [tilespmem:s30+$0x6820];
	(pc) =	sbr.rel @p1 .LBB2_9-.Ltmp5, $4  }
0x9b: {  	[tilespmem:s29+$0x13020] =	vst.add.f32.msk $0xffff, v2;
	s29 =	smov.u32 s30  }
0x9c: {  	[tilespmem:s29+$0x13030] =	vst.add.f32.msk $0xffff, v1  }
0x9d: {  	[tilespmem:s29+$0x13000] =	vst.add.f32.msk $0xffff, v3  }
0x9e: {  	s30 =	sshra.s32 s1, $0x2;
	s1 =	sadd.s32 $0x100, s1;
	[tilespmem:s29+$0x13010] =	vst.add.f32.msk $0xffff, v4  }
0x9f: {  	v1 =	vld [tilespmem:s30+$0x6830]  }
0xa0: {  	v2 =	vld [tilespmem:s30+$0x6800]  }
0xa1: {  	v3 =	vld [tilespmem:s30+$0x6810]  }
0xa2: {  	v4 =	vld [tilespmem:s30+$0x6820]  }
0xa3: {  	[tilespmem:s29+$0x13020] =	vst.add.f32.msk $0xffff, v0  }
0xa4: {  	s1 =	sadd.s32 s7, s28;
	[tilespmem:s30+$0x13030] =	vst.add.f32.msk $0xffff, v1  }
0xa5: {  	s1 =	smul.u32 $0x640, s1;
	[tilespmem:s30+$0x13000] =	vst.add.f32.msk $0xffff, v2  }
0xa6: {  	[tilespmem:s30+$0x13010] =	vst.add.f32.msk $0xffff, v3  }
.Ltmp6:
0xa7: {  	s1 =	sadd.s32 s2, s1;
	[tilespmem:s30+$0x13020] =	vst.add.f32.msk $0xffff, v4;
	(pc) =	sbr.rel @p0 .LBB2_12-.Ltmp6, $4  }
0xa8: {  	[hbm4b:s1+s3] =	stream.linear.scatter [tilespmem:s22], [sflag:$0x2], $0x3200, $0x38;
	[tilespmem:$0x16200] =	vst v63  }
0xa9: {  	_ =	swait.ge [sflag:s24], $0x3200  }
0xaa: {  	[sflag:s24] =	ssyncset.done $0x0  }
0xab: {  	[sflag:s24] =	ssyncadd.s32 $0xFFFFCE00  }
0xac: {  	s1 =	smul.u32 $0xD00, s26;
	_ =	sdelay $0x1  }
.Ltmp7:
0xad: {  	s1 =	sshra.s32 s1, $0x2;
	(pc) =	sbr.rel .LBB2_2-.Ltmp7, $4  }
0xae: {  	s28 =	sadd.s32 $0x410, s1  }
0xaf: {  	[tilespmem:s16], [sflag:$0x1] =	stream.indirect.gather [hbm4b:s4+s11], $0x40, s28, s11, $0xb8;
	[tilespmem:$0x16200] =	vst v63  }
0xb0: {  	s26 =	sadd.s32 $0x1, s26;
	s1 =	sadd.s32 $0x478, s1  }
0xb1: {  	[tilespmem:s18], [sflag:$0x1] =	stream.indirect.gather [hbm4b:s4+s11], $0x40, s1, s11, $0xb8;
	[tilespmem:$0x16200] =	vst v63  }
.LBB2_13:
0xb2: {  	_ =	sfence.sel $0x180000  }
0xb3: {  	[bflag:$0x0] =	sbarrier.arrive $0xFFFF  }
0xb4: {  	_ =	strace $0x90000047  }
0xb5: {  	[bflag:$0x2] =	sbarrier.arrive $0xFFFF  }
0xb6: {  	p0 =	sne.s32 s0, $0x0;
	s0 =	rddreg [dreg:$0x2]  }
0xb7: {  	s0 =	sadd.s32 @!p0 $0x100000, s0  }
0xb8: {  	[sflag:s0] =	ssyncadd.tile.s32 @!p0 $0x1;
	_ =	shalt  }
.Lfunc_end2:
_tile_overlayer_lowered:
.L_overlay_start_2:
0xb9: {  	(tag) =	ssettag $0x2  }
0xba: {  	s0 =	rddreg [dreg:$0x0];
	s2 =	stileid.u32  }
0xbb: {  	s1 =	rddreg [dreg:$0x1];
	p0 =	sne.s32 s2, $0x0  }
0xbc: {  	s3 =	rddreg [dreg:$0x2];
	[bflag:$0x3] =	sbarrier.arrive $0xFFFF;
	s2 =	simm.s32 @!p0 $0x1C03  }
0xbd: {  	[timem:s3], [sflag:s2] =	dma.local @!p0 [hbm:s0], s1  }
0xbe: {  	s0 =	simm.s32 @!p0 $0x3  }
0xbf: {  	_ =	swait.ge @!p0 [sflag:s0], s1  }
0xc0: {  	s1 =	ssub.s32 @!p0 $0x0, s1;
	[sflag:s0] =	ssyncset.done @!p0 $0x0  }
0xc1: {  	[sflag:s0] =	ssyncadd.s32 @!p0 s1  }
0xc2: {  	[bflag:$0x3] =	sbarrier.arrive $0xFFFF  }
0xc3: {  	_ =	shalt  }

// kernel: sparse-core-data-format-call.cloned.1.call-start
scs
called_computation_lowered:
.L_overlay_start_0:
0x0: {  	s2 =	sld [smem:$0x3FD9]  }
0x1: {  	s3 =	sld [smem:$0x3FFE];
	_ =	sdelay $0x1  }
0x2: {  	s1 =	srdreg.scid  }
0x3: {  	s0 =	sand.u32 $0x1, s1  }
0x4: {  	s18 =	sshll.u32 s0, $0xA;
	s2 =	sadd.s32 s3, s2  }
0x5: {  	s2 =	sadd.s32 s2, s18  }
0x6: {  	[smem:$0x3FC5] =	sst s2  }
0x7: {  	_ = 	snop  }
0x8: {  	s2 =	sld [smem:$0x3FD0];
	(tm) =	ssettm $0x1  }
0x9: {  	s19 =	sld [smem:$0x3FFB];
	_ =	sdelay $0x3  }
0xa: {  	_ =	strace s19  }
0xb: {  	s3 =	sld [smem:$0x3FFC];
	_ =	sdelay $0x3  }
0xc: {  	_ =	strace s3  }
0xd: {  	s3 =	sld [smem:$0x3FFD];
	_ =	sdelay $0x3  }
0xe: {  	_ =	strace s3  }
0xf: {  	_ =	strace $0x8FFFFFFF  }
0x10: {  	s20 =	sld [smem:$0x3FDB];
	_ =	sdelay $0x1  }
0x11: {  	s4 =	simm.s32 $_scs_section_size  }
0x12: {  	s5 =	simm.s32 $_size__tile_overlayer_lowered;
	s6 =	simm.s32 $_tile_overlayer_lowered  }
0x13: {  	s23 =	simm.s32 $0x1BFF;
	s22 =	sshll.u32 s6, $0x1;
	s3 =	sadd.s32 s4, s20  }
0x14: {  	s7 =	simm.s32 $0x0;
	s21 =	sshll.u32 s5, $0x1;
	s5 =	sadd.s32 s22, s3  }
0x15: {  	[timem:s7], [sflag:s23] =	dma.local [hbm:s5], s21  }
0x16: {  	_ =	swait.ge [sflag:s23], s21  }
0x17: {  	s4 =	ssub.s32 $0x0, s21;
	[sflag:s23] =	ssyncset.done $0x0  }
0x18: {  	[sflag:s23] =	ssyncadd.s32 s4;
	_ =	sdelay $0x1  }
0x19: {  	s24 =	simm.s32 $0x1B8B  }
0x1a: {  	_ =	swait.ge [sflag:s24], $0x1  }
0x1b: {  	[sflag:s24] =	ssyncset.done $0x0  }
0x1c: {  	s26 =	simm.s32 $0x1B8E;
	s25 =	sld [smem:$0x3FFE];
	[sflag:s24] =	ssyncadd.s32 $0xFFFFFFFF  }
0x1d: {  	s27 =	simm.s32 $execute0_lowered;
	[smem:$0x3FD2] =	sst s26  }
0x1e: {  	s5 =	sshll.u32 s27, $0x1;
	_ =	strace $0x80000049;
	[dreg:$0x1] =	wrdreg $0xFFFFFFFF  }
0x1f: {  	s28 =	simm.s32 $_size_execute0_lowered;
	s3 =	sadd.s32 s3, s5;
	[dreg:$0x0] =	wrdreg $0x0  }
0x20: {  	s5 =	sshll.u32 s28, $0x1;
	[dreg:$0x2] =	wrdreg s3  }
0x21: {  	[dreg:$0x3] =	wrdreg s5  }
0x22: {  	[dreg:$0x4] =	wrdreg $0xC0  }
0x23: {  	_ =	task [dreg:s7], $0x5FFFF  }
0x24: {  	[dreg:$0x1] =	wrdreg $0xFFFFFFFF  }
0x25: {  	[dreg:$0x0] =	wrdreg $0x60  }
0x26: {  	[dreg:$0x2] =	wrdreg s25  }
0x27: {  	[dreg:$0x3] =	wrdreg s2  }
0x28: {  	[dreg:$0x4] =	wrdreg $0x9  }
0x29: {  	_ =	task.clear_ibuf [dreg:s7], $0x5FFFF;
	_ =	strace $0x90000049  }
0x2a: {  	s29 =	simm.s32 $0x9;
	_ =	strace $0x8000004B  }
0x2b: {  	_ =	swait.ge [sflag:s29], $0x1  }
0x2c: {  	[sflag:s29] =	ssyncadd.s32 $0xFFFFFFFF  }
0x2d: {  	_ =	strace $0x9000004B  }
0x2e: {  	_ =	sfence  }
0x2f: {  	s30 =	sld [smem:$0x0];
	_ =	sdelay $0x2  }
0x30: {  	s31 =	sshll.u32 s1, $0xD;
	s1 =	sshrl.u32 s1, $0x2  }
0x31: {  	s3 =	sand.u32 $0x4000, s31;
	s1 =	sadd.s32 s1, s30  }
0x32: {  	s0 =	sor.u32 s3, s0;
	s1 =	sshll.u32 s1, $0x11  }
0x33: {  	s0 =	sor.u32 s1, s0  }
0x34: {  	s0 =	sadd.s32 $0x8F2B, s0  }
0x35: {  	[sflag:s0] =	ssyncadd.remote.s32 $0x1  }
0x36: {  	_ =	sfence.sel $0xFFFF  }
0x37: {  	[dreg:$0x0] =	wrdreg $0xFFFFFFFF;
	(pc) =	sbr.abs _section_cstart, $3  }
0x38: {  	[dreg:$0x1] =	wrdreg $0xFFFFFFFF  }
0x39: {  	_ =	task.clear_ibuf [dreg:s7], $0x2FFFF;
	_ =	strace $0x9FFFFFFF  }
0x3a: {  	(tm) =	ssettm $0x7FFFFFFF  }
0x3b: {  	_ =	shalt  }
tec
execute0_lowered:
.L_overlay_start_1:
0x0: {  	(tag) =	ssettag $0x1  }
0x1: {  	s0 =	srdreg.scid  }
0x2: {  	s1 =	sshll.u32 s0, $0x4  }
0x3: {  	s0 =	stileid.u32;
	s1 =	sand.u32 $0x10, s1  }
0x4: {  	s1 =	sor.u32 s0, s1  }
0x5: {  	s6 =	rddreg [dreg:$0x0];
	s4 =	simm.s32 $0x1;
	s2 =	sshll.u32 s1, $0x7  }
0x6: {  	s7 =	simm.s32 $0x2;
	s12 =	simm.s32 $0x0;
	s1 =	ssub.s32 $0x1000, s2  }
0x7: {  	s8 =	simm.s32 $0x8000;
	s13 =	simm.s32 $0x0;
	s3 =	sand.u32 $0xF80, s1  }
0x8: {  	s9 =	simm.s32 $0x0;
	s5 =	sshrl.u32 s1, $0xC;
	p0 =	sne.s32 s3, $0x0  }
.Ltmp0:
0x9: {  	s1 =	rddreg [dreg:$0x2];
	s4 =	simm.s32 @!p0 $0x0;
	(pc) =	sbr.rel .LBB1_1-.Ltmp0, $4  }
0xa: {  	s11 =	simm.s32 $0x0;
	s3 =	rddreg [dreg:$0x1];
	s5 =	sadd.s32 s4, s5  }
0xb: {  	_ =	strace $0x8000004A;
	s4 =	simm.s32 $0x1;
	s5 =	smul.u32 $0xC8, s5  }
0xc: {  	s6 =	sadd.s32 $0xC00, s6;
	s10 =	smov.u32 s2;
	[sflag:s4] =	ssyncpa.u1 $0x0  }
0xd: {  	p0 =	por $0x0, $0x0;
	[sflag:s7] =	ssyncpa.u1 $0x0;
	s7 =	sor.u32 $0x1, s5  }
.LBB1_4:
0xe: {  	s16 =	sshll.u32 s13, $0x3;
	s17 =	sand.u32 $0x78, s13  }
0xf: {  	s30 =	sand.u32 $0x7E00, s13;
	s12 =	sshll.u32 s12, $0xF;
	s16 =	sand.u32 $0xC00, s16  }
0x10: {  	[tilespmem:s15+$0x810 ss:$0x81] =	vst.msk $0xffff, v2;
	s31 =	sand.u32 $0x7, s13;
	s16 =	sor.u32 s17, s16;
	s17 =	sadd.s32 s3, s30  }
0x11: {  	[tilespmem:s15+$0x1020 ss:$0x81] =	vst.msk $0xffff, v0;
	s13 =	sshll.u32 s31, $0x12;
	s12 =	sadd.s32 s12, s17;
	s16 =	sshrl.u32 s16, $0x3  }
0x12: {  	[tilespmem:s15+$0x0 ss:$0x81] =	vst.msk $0xffff, v1;
	s13 =	sor.u32 $0x400, s13;
	s12 =	sadd.s32 s16, s12  }
0x13: {  	[hbm4b:s12+s13] =	stream.strided.scatter [tilespmem:s14], [sflag:$0x2], $0x2000, s8, s13, $0x20;
	[tilespmem:$0x8080] =	vst v63  }
.LBB1_5:
0x14: {  	s14 =	sadd.s32 $0x1, s9  }
0x15: {  	s12 =	sadd.s32 $0x1000, s10;
	s16 =	smov.u32 s10;
	p2 =	sgt.s32 s14, $0xC7  }
0x16: {  	s16 =	smov.u32 @p2 s12  }
0x17: {  	s14 =	simm.s32 @p2 $0x0;
	p2 =	sgt.s32 s16, $0xFFF  }
0x18: {  	s16 =	smov.u32 @p2 s2;
	p2 =	sne.s32 s11, s7  }
.Ltmp1:
0x19: {  	p1 =	slt.u32 s11, $0x2;
	(pc) =	sbr.rel @!p2 .LBB1_6-.Ltmp1, $4  }
0x1a: {  	s15 =	simm.s32 @!p1 $0x2  }
0x1b: {  	s13 =	smov.u32 s10;
	p0 =	por !p0, !p0;
	_ =	swait.ge @!p1 [sflag:s15], $0x2000  }
0x1c: {  	s12 =	smov.u32 s9;
	[sflag:s15] =	ssyncset.done @!p1 $0x0;
	s9 =	smov.u32 s14  }
0x1d: {  	s11 =	sadd.s32 $0x1, s11;
	[sflag:s15] =	ssyncadd.s32 @!p1 $0xFFFFE000;
	s10 =	smov.u32 s16  }
.LBB1_1:
0x1e: {  	p1 =	sge.u32 s11, s5  }
0x1f: {  	s14 =	sand.u32 @!p1 $0x1FFFFFF, s9  }
0x20: {  	s15 =	smulhi.u32 @!p1 $0x147AE15, s14;
	_ =	sdelay $0x1  }
0x21: {  	s15 =	smul.u32 @!p1 $0xC8, s15  }
0x22: {  	s16 =	sxor.u32 @!p1 $0xFFFFFFFF, s11;
	s17 =	smul.u32 @!p1 $0xC80, s10  }
0x23: {  	s31 =	sadd.s32 $0xFFFFFFFF, s11;
	s16 =	sshll.u32 @!p1 s16, $0xD;
	s14 =	ssub.s32 @!p1 s14, s15  }
0x24: {  	s15 =	sand.u32 @!p1 $0x2000, s16;
	s16 =	sadd.s32 @!p1 s6, s17;
	s14 =	sshll.u32 @!p1 s14, $0x4  }
0x25: {  	s17 =	simm.s32 @!p1 $0x6400;
	s14 =	sadd.s32 @!p1 s14, s16;
	s16 =	simm.s32 @!p1 $0x40  }
0x26: {  	[tilespmem:s15], [sflag:$0x1] =	stream.strided.gather @!p1 [hbm4b:s14+s16], $0x2000, s17, s16, $0x38;
	[tilespmem:$0x8080] =	vst v63  }
0x27: {  	p1 =	sge.u32 s31, s5  }
.Ltmp2:
0x28: {  	_ = 	snop;
	(pc) =	sbr.rel @p1 .LBB1_5-.Ltmp2, $1  }
0x29: {  	_ =	sdelay $0x3  }
0x2a: {  	s14 =	simm.s32 $0x1  }
0x2b: {  	_ =	swait.ge [sflag:s4], $0x2000;
	s14 =	simm.s32 @!p0 $0x0  }
0x2c: {  	[sflag:s4] =	ssyncset.done $0x0;
	s15 =	sshll.u32 s14, $0xD  }
0x2d: {  	[sflag:s4] =	ssyncadd.s32 $0xFFFFE000;
	s18 =	sor.u32 $0x20, s15  }
0x2e: {  	s14 =	smul.u32 $0x8100, s14;
	v3 =	vld [tilespmem:s18+$0x10]  }
0x2f: {  	s30 =	sand.u32 $0x1, s11;
	v2 =	vld [tilespmem:s18+$0xFFFFFFF0]  }
0x30: {  	s15 =	smul.u32 $0x8100, s30;
	s14 =	sshrl.u32 s14, $0x2;
	v0 =	vld [tilespmem:s18+$0x0]  }
0x31: {  	v1 =	vld [tilespmem:s18+$0xFFFFFFE0];
	s16 =	sor.u32 $0x4000, s14  }
0x32: {  	s31 =	sshrl.u32 s15, $0x2;
	s15 =	sadd.s32 $0x0, s16  }
0x33: {  	s17 =	simm.s32 $0x4;
	s18 =	sadd.s32 $0x40, s18;
	s14 =	sor.u32 $0x4000, s31;
	[tilespmem:s15+$0x1830 ss:$0x81] =	vst.msk $0xffff, v3  }
.LBB1_3:
0x34: {  	v3 =	vld [tilespmem:s18+$0x10];
	p1 =	sne.s32 s17, $0x1FC;
	[tilespmem:s15+$0x810 ss:$0x81] =	vst.msk $0xffff, v2;
	s19 =	smov.u32 s17;
	s17 =	sadd.s32 $0x4, s17  }
.Ltmp3:
0x35: {  	v2 =	vld [tilespmem:s18+$0xFFFFFFF0];
	[tilespmem:s15+$0x1020 ss:$0x81] =	vst.msk $0xffff, v0;
	(pc) =	sbr.rel @p1 .LBB1_3-.Ltmp3, $4  }
0x36: {  	v0 =	vld [tilespmem:s18+$0x0];
	[tilespmem:s15+$0x0 ss:$0x81] =	vst.msk $0xffff, v1  }
0x37: {  	s15 =	sshra.s32 s19, $0x2;
	v1 =	vld [tilespmem:s18+$0xFFFFFFE0]  }
0x38: {  	s15 =	sadd.s32 s15, s16  }
0x39: {  	s18 =	sadd.s32 $0x40, s18;
	[tilespmem:s15+$0x1830 ss:$0x81] =	vst.msk $0xffff, v3  }
.Ltmp4:
0x3a: {  	_ = 	snop;
	(pc) =	sbr.rel .LBB1_4-.Ltmp4, $1  }
0x3b: {  	_ =	sdelay $0x3  }
.LBB1_6:
0x3c: {  	_ =	sfence.sel $0x180000  }
0x3d: {  	s2 =	simm.s32 $0x1;
	[bflag:$0x0] =	sbarrier.arrive $0xFFFF  }
0x3e: {  	s31 =	simm.s32 $0x2;
	[sflag:s2] =	ssyncpa.u1 $0x1  }
0x3f: {  	[sflag:s31] =	ssyncpa.u1 $0x1  }
0x40: {  	p0 =	sne.s32 s0, $0x0;
	_ =	strace $0x9000004A  }
0x41: {  	s0 =	sadd.s32 @!p0 $0x100000, s1;
	[bflag:$0x2] =	sbarrier.arrive $0xFFFF  }
0x42: {  	[sflag:s0] =	ssyncadd.tile.s32 @!p0 $0x1;
	_ =	shalt  }
.Lfunc_end1:
_tile_overlayer_lowered:
.L_overlay_start_2:
0x43: {  	(tag) =	ssettag $0x2  }
0x44: {  	s0 =	rddreg [dreg:$0x0];
	s2 =	stileid.u32  }
0x45: {  	s1 =	rddreg [dreg:$0x1];
	p0 =	sne.s32 s2, $0x0  }
0x46: {  	s3 =	rddreg [dreg:$0x2];
	[bflag:$0x3] =	sbarrier.arrive $0xFFFF;
	s2 =	simm.s32 @!p0 $0x1C01  }
0x47: {  	[timem:s3], [sflag:s2] =	dma.local @!p0 [hbm:s0], s1  }
0x48: {  	s0 =	simm.s32 @!p0 $0x1  }
0x49: {  	_ =	swait.ge @!p0 [sflag:s0], s1  }
0x4a: {  	s1 =	ssub.s32 @!p0 $0x0, s1;
	[sflag:s0] =	ssyncset.done @!p0 $0x0  }
0x4b: {  	[sflag:s0] =	ssyncadd.s32 @!p0 s1  }
0x4c: {  	[bflag:$0x3] =	sbarrier.arrive $0xFFFF  }
0x4d: {  	_ =	shalt  }

</sc_bundles>
